<compile_context>
chip_gen: v7x
topology: tpu7x:2x2x1
jax: 0.10.2.dev20260603
libtpu: 0.0.44.dev20260713+nightly
codegen_flags: <defaults>
</compile_context>

<pallas_src>
import functools

import jax
import jax.numpy as jnp
from jax import lax
from jax.experimental import pallas as pl
from jax.experimental.pallas import tpu as pltpu
from jax.experimental.pallas import tpu_sc as plsc

B, P, X, Y = 1024, 64, 32, 32
M = 4096
F = P * X * Y

NC, NS, L = 2, 16, 16
NW = NC * NS
BH = B // 2
MPAIR = M // (NW // 2)
NK = 8


def _policy_flatten_kernel(x_hbm, p_hbm, cx_hbm, cy_hbm, out_hbm,
                           pv, cxv, cyv, idx_v, g_v, s_v, gsem, osem):
  wid = lax.axis_index("s") * NC + lax.axis_index("c")
  pair = wid // 2
  b0 = pl.multiple_of((wid % 2) * BH, BH)
  mp0 = pl.multiple_of(pair * MPAIR, 128)

  lane = lax.iota(jnp.int32, L)

  pltpu.sync_copy(p_hbm.at[pl.ds(mp0, MPAIR)], pv)
  pltpu.sync_copy(cx_hbm.at[pl.ds(mp0, MPAIR)], cxv)
  pltpu.sync_copy(cy_hbm.at[pl.ds(mp0, MPAIR)], cyv)
  for j in range(MPAIR // L):
    sl = pl.ds(j * L, L)
    idx_v[sl] = (pv[sl] * X + cxv[sl]) * Y + cyv[sl]

  def round_(r):
    m0 = pl.multiple_of(pair * MPAIR + r * 128, 128)

    def start_gather(k):
      src = x_hbm.at[:, pl.ds(b0, BH)].at[idx_v.at[pl.ds(r * 128 + k * L, L)]]
      return pltpu.async_copy(src, g_v.at[k % 2], gsem)

    def drain_gather(k):
      pltpu.make_async_copy(x_hbm.at[pl.ds(0, L), pl.ds(0, BH)],
                            g_v.at[k % 2], gsem).wait()

    start_gather(0)
    for k in range(NK):
      if k + 1 < NK:
        start_gather(k + 1)
      drain_gather(k)
      if r == 1 and k == 0:
        pltpu.make_async_copy(s_v, out_hbm.at[pl.ds(0, BH), pl.ds(0, 128)],
                              osem).wait()
      buf = k % 2

      @functools.partial(plsc.parallel_loop, 0, L, unroll=2)
      def _(ml):
        col = jnp.full((L,), k * L, jnp.int32) + ml
        for j in range(BH // L):
          vals = g_v[buf, ml, pl.ds(j * L, L)]
          plsc.store_scatter(s_v, [lane + (j * L), col], vals)

    pltpu.async_copy(s_v, out_hbm.at[pl.ds(b0, BH), pl.ds(m0, 128)], osem)

  round_(0)
  round_(1)
  pltpu.make_async_copy(s_v, out_hbm.at[pl.ds(0, BH), pl.ds(0, 128)],
                        osem).wait()


@jax.jit
def kernel(x, piece_orientation_indices, center_placement_x,
           center_placement_y):
  xr = jnp.transpose(x, (1, 2, 3, 0)).reshape(F, B)
  run = pl.kernel(
      _policy_flatten_kernel,
      out_type=jax.ShapeDtypeStruct((B, M), jnp.float32),
      mesh=plsc.VectorSubcoreMesh(core_axis_name="c", subcore_axis_name="s"),
      scratch_types=[
          pltpu.VMEM((MPAIR,), jnp.int32),
          pltpu.VMEM((MPAIR,), jnp.int32),
          pltpu.VMEM((MPAIR,), jnp.int32),
          pltpu.VMEM((MPAIR,), jnp.int32),
          pltpu.VMEM((2, L, BH), jnp.float32),
          pltpu.VMEM((BH, 128), jnp.float32),
          pltpu.SemaphoreType.DMA,
          pltpu.SemaphoreType.DMA,
      ],
      compiler_params=pltpu.CompilerParams(
          needs_layout_passes=False,
          disable_bounds_checks=True,
      ),
  )
  return run(xr,
             piece_orientation_indices.astype(jnp.int32),
             center_placement_x.astype(jnp.int32),
             center_placement_y.astype(jnp.int32))

# --- scband reference (transcript-rebuilt; emitter-appended) ---
"""Pipeline reference for scband-policy-flatten-69956427317734 (READ-ONLY COPY).

The authoritative reference and input builder live on the scoring server;
editing this copy changes nothing except your own understanding.
"""

import jax, jax.numpy as jnp
import numpy as np

B, P, X, Y = 1024, 64, 32, 32
M = 4096

def setup_inputs(seed: int = 0) -> dict:
    key = jax.random.key(seed)
    k1, k2, k3, k4 = jax.random.split(key, 4)
    x = jax.random.normal(k1, (B, P, X, Y), dtype=jnp.float32)
    piece_orientation_indices = jax.random.randint(k2, (M,), 0, P, dtype=jnp.int64 if jax.config.jax_enable_x64 else jnp.int32)
    center_placement_x = jax.random.randint(k3, (M,), 0, X, dtype=jnp.int64 if jax.config.jax_enable_x64 else jnp.int32)
    center_placement_y = jax.random.randint(k4, (M,), 0, Y, dtype=jnp.int64 if jax.config.jax_enable_x64 else jnp.int32)
    return {
        "x": x,
        "piece_orientation_indices": piece_orientation_indices,
        "center_placement_x": center_placement_x,
        "center_placement_y": center_placement_y,
    }

def reference(x, piece_orientation_indices, center_placement_x, center_placement_y):
    # Faithful translation of:
    #   x[:, piece_orientation_indices, center_placement_x, center_placement_y]
    # Advanced integer indexing on the last three dims broadcasts the three
    # length-M index vectors together, yielding shape [B, M].
    return x[:, piece_orientation_indices, center_placement_x, center_placement_y]

if __name__ == "__main__":
    import jax
    _d = setup_inputs()
    print(jax.jit(kernel)(*tuple(_d.values())))

</pallas_src>

<mosaic_0001>
#map = affine_map<(d0, d1) -> (0, 0)>
#map1 = affine_map<(d0, d1) -> (0)>
module attributes {stable_mosaic.version = 14 : i64} {
  func.func @_policy_flatten_kernel(%arg0: i32, %arg1: i32, %arg2: memref<65536x1024xf32, #tpu.memory_space<hbm>>, %arg3: memref<4096xi32, #tpu.memory_space<hbm>>, %arg4: memref<4096xi32, #tpu.memory_space<hbm>>, %arg5: memref<4096xi32, #tpu.memory_space<hbm>>, %arg6: memref<1024x4096xf32, #tpu.memory_space<hbm>>, %arg7: memref<256xi32, #tpu.memory_space<vmem>>, %arg8: memref<256xi32, #tpu.memory_space<vmem>>, %arg9: memref<256xi32, #tpu.memory_space<vmem>>, %arg10: memref<256xi32, #tpu.memory_space<vmem>>, %arg11: memref<2x16x512xf32, #tpu.memory_space<vmem>>, %arg12: memref<512x128xf32, #tpu.memory_space<vmem>>, %arg13: memref<!tpu.dma_semaphore, #tpu.memory_space<semaphore_mem>>, %arg14: memref<!tpu.dma_semaphore, #tpu.memory_space<semaphore_mem>>) attributes {dimension_semantics = [#tpu.dimension_semantics<core_parallel>, #tpu.dimension_semantics<subcore_parallel>], iteration_bounds = array<i64: 2, 16>, scalar_prefetch = 0 : i64, scratch_operands = 8 : i64, tpu.core_type = #tpu.core_type<sc_vector_subcore>, window_params = [{transform_indices = #map}, {transform_indices = #map1}, {transform_indices = #map1}, {transform_indices = #map1}, {transform_indices = #map}]} {
    %mul3A = arith.constant 2 : i32
    %mul3A_0 = arith.muli %arg1, %mul3A : i32
    %add3A = arith.addi %mul3A_0, %arg0 : i32
    %jit3A = arith.constant 2 : i32
    %div3A = arith.divsi %add3A, %jit3A : i32
    %sign3A = arith.constant 0 : i32
    %sign3A_1 = arith.cmpi sgt, %add3A, %sign3A : i32
    %sign3A_2 = arith.extui %sign3A_1 : i1 to i32
    %sign3A_3 = arith.constant 0 : i32
    %sign3A_4 = arith.cmpi slt, %add3A, %sign3A_3 : i32
    %sign3A_5 = arith.extui %sign3A_4 : i1 to i32
    %sign3A_6 = arith.subi %sign3A_2, %sign3A_5 : i32
    %sign3A_7 = arith.constant 0 : i32
    %sign3A_8 = arith.cmpi sgt, %jit3A, %sign3A_7 : i32
    %sign3A_9 = arith.extui %sign3A_8 : i1 to i32
    %sign3A_10 = arith.constant 0 : i32
    %sign3A_11 = arith.cmpi slt, %jit3A, %sign3A_10 : i32
    %sign3A_12 = arith.extui %sign3A_11 : i1 to i32
    %sign3A_13 = arith.subi %sign3A_9, %sign3A_12 : i32
    %ne3A = arith.cmpi ne, %sign3A_6, %sign3A_13 : i32
    %rem3A = arith.remsi %add3A, %jit3A : i32
    %ne3A_14 = arith.constant 0 : i32
    %ne3A_15 = arith.cmpi ne, %rem3A, %ne3A_14 : i32
    %and3A = arith.andi %ne3A, %ne3A_15 : i1
    %sub3A = arith.constant 1 : i32
    %sub3A_16 = arith.subi %div3A, %sub3A : i32
    %select_n3A = arith.select %and3A, %sub3A_16, %div3A : i32
    %jit3A_17 = arith.constant 2 : i32
    %eq3A = arith.constant 0 : i32
    %eq3A_18 = arith.cmpi eq, %jit3A_17, %eq3A : i32
    %jit3A_19 = arith.constant 1 : i32
    %select_n3A_20 = arith.select %eq3A_18, %jit3A_19, %jit3A_17 : i32
    %rem3A_21 = arith.remsi %add3A, %select_n3A_20 : i32
    %ne3A_22 = arith.constant 0 : i32
    %ne3A_23 = arith.cmpi ne, %rem3A_21, %ne3A_22 : i32
    %lt3A = arith.constant 0 : i32
    %lt3A_24 = arith.cmpi slt, %rem3A_21, %lt3A : i32
    %lt3A_25 = arith.constant 0 : i32
    %lt3A_26 = arith.cmpi slt, %select_n3A_20, %lt3A_25 : i32
    %ne3A_27 = arith.xori %lt3A_24, %lt3A_26 : i1
    %and3A_28 = arith.andi %ne3A_27, %ne3A_23 : i1
    %add3A_29 = arith.addi %rem3A_21, %select_n3A_20 : i32
    %select_n3A_30 = arith.select %and3A_28, %add3A_29, %rem3A_21 : i32
    %mul3A_31 = arith.constant 512 : i32
    %mul3A_32 = arith.muli %select_n3A_30, %mul3A_31 : i32
    %multiple_of3A = tpu.assume_multiple %mul3A_32, 512 : i32
    %mul3A_33 = arith.constant 256 : i32
    %mul3A_34 = arith.muli %select_n3A, %mul3A_33 : i32
    %multiple_of3A_35 = tpu.assume_multiple %mul3A_34, 128 : i32
    %iota3A = tpu.iota {dimensions = array<i32: 0>} : vector<16xi32>
    "tpu.region"() ({
      %run_scoped3A = tpu.sem_alloc : memref<!tpu.dma_semaphore, #tpu.memory_space<semaphore_mem>>
      %dma_start3A_746 = tpu.memref_slice %arg3[%multiple_of3A_35] : memref<4096xi32, #tpu.memory_space<hbm>> -> memref<256xi32, #tpu.memory_space<hbm>>
      %dma_start3A_747 = tpu.memref_slice %arg3[%multiple_of3A_35] : memref<4096xi32, #tpu.memory_space<hbm>> -> memref<256xi32, #tpu.memory_space<hbm>>
      tpu.enqueue_dma source(%dma_start3A_747 : memref<256xi32, #tpu.memory_space<hbm>>) target(%arg7 : memref<256xi32, #tpu.memory_space<vmem>>) target_semaphore(%run_scoped3A : memref<!tpu.dma_semaphore, #tpu.memory_space<semaphore_mem>>)
      %dma_wait3A_748 = tpu.memref_slice %arg3[%multiple_of3A_35] : memref<4096xi32, #tpu.memory_space<hbm>> -> memref<256xi32, #tpu.memory_space<hbm>>
      %dma_wait3A_749 = tpu.memref_slice %arg3[%multiple_of3A_35] : memref<4096xi32, #tpu.memory_space<hbm>> -> memref<256xi32, #tpu.memory_space<hbm>>
      tpu.wait_dma2 semaphore(%run_scoped3A : memref<!tpu.dma_semaphore, #tpu.memory_space<semaphore_mem>>) src(%dma_wait3A_749 : memref<256xi32, #tpu.memory_space<hbm>>) dst(%arg7 : memref<256xi32, #tpu.memory_space<vmem>>)
      tpu.yield
    }) : () -> ()
    "tpu.region"() ({
      %run_scoped3A = tpu.sem_alloc : memref<!tpu.dma_semaphore, #tpu.memory_space<semaphore_mem>>
      %dma_start3A_746 = tpu.memref_slice %arg4[%multiple_of3A_35] : memref<4096xi32, #tpu.memory_space<hbm>> -> memref<256xi32, #tpu.memory_space<hbm>>
      %dma_start3A_747 = tpu.memref_slice %arg4[%multiple_of3A_35] : memref<4096xi32, #tpu.memory_space<hbm>> -> memref<256xi32, #tpu.memory_space<hbm>>
      tpu.enqueue_dma source(%dma_start3A_747 : memref<256xi32, #tpu.memory_space<hbm>>) target(%arg8 : memref<256xi32, #tpu.memory_space<vmem>>) target_semaphore(%run_scoped3A : memref<!tpu.dma_semaphore, #tpu.memory_space<semaphore_mem>>)
      %dma_wait3A_748 = tpu.memref_slice %arg4[%multiple_of3A_35] : memref<4096xi32, #tpu.memory_space<hbm>> -> memref<256xi32, #tpu.memory_space<hbm>>
      %dma_wait3A_749 = tpu.memref_slice %arg4[%multiple_of3A_35] : memref<4096xi32, #tpu.memory_space<hbm>> -> memref<256xi32, #tpu.memory_space<hbm>>
      tpu.wait_dma2 semaphore(%run_scoped3A : memref<!tpu.dma_semaphore, #tpu.memory_space<semaphore_mem>>) src(%dma_wait3A_749 : memref<256xi32, #tpu.memory_space<hbm>>) dst(%arg8 : memref<256xi32, #tpu.memory_space<vmem>>)
      tpu.yield
    }) : () -> ()
    "tpu.region"() ({
      %run_scoped3A = tpu.sem_alloc : memref<!tpu.dma_semaphore, #tpu.memory_space<semaphore_mem>>
      %dma_start3A_746 = tpu.memref_slice %arg5[%multiple_of3A_35] : memref<4096xi32, #tpu.memory_space<hbm>> -> memref<256xi32, #tpu.memory_space<hbm>>
      %dma_start3A_747 = tpu.memref_slice %arg5[%multiple_of3A_35] : memref<4096xi32, #tpu.memory_space<hbm>> -> memref<256xi32, #tpu.memory_space<hbm>>
      tpu.enqueue_dma source(%dma_start3A_747 : memref<256xi32, #tpu.memory_space<hbm>>) target(%arg9 : memref<256xi32, #tpu.memory_space<vmem>>) target_semaphore(%run_scoped3A : memref<!tpu.dma_semaphore, #tpu.memory_space<semaphore_mem>>)
      %dma_wait3A_748 = tpu.memref_slice %arg5[%multiple_of3A_35] : memref<4096xi32, #tpu.memory_space<hbm>> -> memref<256xi32, #tpu.memory_space<hbm>>
      %dma_wait3A_749 = tpu.memref_slice %arg5[%multiple_of3A_35] : memref<4096xi32, #tpu.memory_space<hbm>> -> memref<256xi32, #tpu.memory_space<hbm>>
      tpu.wait_dma2 semaphore(%run_scoped3A : memref<!tpu.dma_semaphore, #tpu.memory_space<semaphore_mem>>) src(%dma_wait3A_749 : memref<256xi32, #tpu.memory_space<hbm>>) dst(%arg9 : memref<256xi32, #tpu.memory_space<vmem>>)
      tpu.yield
    }) : () -> ()
    %get3A = arith.constant 0 : index
    %get3A_36 = tpu.vector_load %arg7[%get3A] {strides = array<i32>} : memref<256xi32, #tpu.memory_space<vmem>>, vector<16xi32>,
    %mul3A_37 = arith.constant 32 : i32
    %mul3A_38 = vector.broadcast %mul3A_37 : i32 to vector<16xi32>
    %mul3A_39 = arith.muli %get3A_36, %mul3A_38 : vector<16xi32>
    %get3A_40 = arith.constant 0 : index
    %get3A_41 = tpu.vector_load %arg8[%get3A_40] {strides = array<i32>} : memref<256xi32, #tpu.memory_space<vmem>>, vector<16xi32>,
    %add3A_42 = arith.addi %mul3A_39, %get3A_41 : vector<16xi32>
    %mul3A_43 = arith.constant 32 : i32
    %mul3A_44 = vector.broadcast %mul3A_43 : i32 to vector<16xi32>
    %mul3A_45 = arith.muli %add3A_42, %mul3A_44 : vector<16xi32>
    %get3A_46 = arith.constant 0 : index
    %get3A_47 = tpu.vector_load %arg9[%get3A_46] {strides = array<i32>} : memref<256xi32, #tpu.memory_space<vmem>>, vector<16xi32>,
    %add3A_48 = arith.addi %mul3A_45, %get3A_47 : vector<16xi32>
    %swap3A = arith.constant 0 : index
    %swap3A_49 = tpu.vector_load %arg10[%swap3A] {strides = array<i32>} : memref<256xi32, #tpu.memory_space<vmem>>, vector<16xi32>,
    tpu.vector_store %arg10[%swap3A], %add3A_48 {strides = array<i32>} : memref<256xi32, #tpu.memory_space<vmem>>, vector<16xi32>,
    %get3A_50 = arith.constant 16 : index
    %get3A_51 = tpu.vector_load %arg7[%get3A_50] {strides = array<i32>} : memref<256xi32, #tpu.memory_space<vmem>>, vector<16xi32>,
    %mul3A_52 = arith.constant 32 : i32
    %mul3A_53 = vector.broadcast %mul3A_52 : i32 to vector<16xi32>
    %mul3A_54 = arith.muli %get3A_51, %mul3A_53 : vector<16xi32>
    %get3A_55 = arith.constant 16 : index
    %get3A_56 = tpu.vector_load %arg8[%get3A_55] {strides = array<i32>} : memref<256xi32, #tpu.memory_space<vmem>>, vector<16xi32>,
    %add3A_57 = arith.addi %mul3A_54, %get3A_56 : vector<16xi32>
    %mul3A_58 = arith.constant 32 : i32
    %mul3A_59 = vector.broadcast %mul3A_58 : i32 to vector<16xi32>
    %mul3A_60 = arith.muli %add3A_57, %mul3A_59 : vector<16xi32>
    %get3A_61 = arith.constant 16 : index
    %get3A_62 = tpu.vector_load %arg9[%get3A_61] {strides = array<i32>} : memref<256xi32, #tpu.memory_space<vmem>>, vector<16xi32>,
    %add3A_63 = arith.addi %mul3A_60, %get3A_62 : vector<16xi32>
    %swap3A_64 = arith.constant 16 : index
    %swap3A_65 = tpu.vector_load %arg10[%swap3A_64] {strides = array<i32>} : memref<256xi32, #tpu.memory_space<vmem>>, vector<16xi32>,
    tpu.vector_store %arg10[%swap3A_64], %add3A_63 {strides = array<i32>} : memref<256xi32, #tpu.memory_space<vmem>>, vector<16xi32>,
    %get3A_66 = arith.constant 32 : index
    %get3A_67 = tpu.vector_load %arg7[%get3A_66] {strides = array<i32>} : memref<256xi32, #tpu.memory_space<vmem>>, vector<16xi32>,
    %mul3A_68 = arith.constant 32 : i32
    %mul3A_69 = vector.broadcast %mul3A_68 : i32 to vector<16xi32>
    %mul3A_70 = arith.muli %get3A_67, %mul3A_69 : vector<16xi32>
    %get3A_71 = arith.constant 32 : index
    %get3A_72 = tpu.vector_load %arg8[%get3A_71] {strides = array<i32>} : memref<256xi32, #tpu.memory_space<vmem>>, vector<16xi32>,
    %add3A_73 = arith.addi %mul3A_70, %get3A_72 : vector<16xi32>
    %mul3A_74 = arith.constant 32 : i32
    %mul3A_75 = vector.broadcast %mul3A_74 : i32 to vector<16xi32>
    %mul3A_76 = arith.muli %add3A_73, %mul3A_75 : vector<16xi32>
    %get3A_77 = arith.constant 32 : index
    %get3A_78 = tpu.vector_load %arg9[%get3A_77] {strides = array<i32>} : memref<256xi32, #tpu.memory_space<vmem>>, vector<16xi32>,
    %add3A_79 = arith.addi %mul3A_76, %get3A_78 : vector<16xi32>
    %swap3A_80 = arith.constant 32 : index
    %swap3A_81 = tpu.vector_load %arg10[%swap3A_80] {strides = array<i32>} : memref<256xi32, #tpu.memory_space<vmem>>, vector<16xi32>,
    tpu.vector_store %arg10[%swap3A_80], %add3A_79 {strides = array<i32>} : memref<256xi32, #tpu.memory_space<vmem>>, vector<16xi32>,
    %get3A_82 = arith.constant 48 : index
    %get3A_83 = tpu.vector_load %arg7[%get3A_82] {strides = array<i32>} : memref<256xi32, #tpu.memory_space<vmem>>, vector<16xi32>,
    %mul3A_84 = arith.constant 32 : i32
    %mul3A_85 = vector.broadcast %mul3A_84 : i32 to vector<16xi32>
    %mul3A_86 = arith.muli %get3A_83, %mul3A_85 : vector<16xi32>
    %get3A_87 = arith.constant 48 : index
    %get3A_88 = tpu.vector_load %arg8[%get3A_87] {strides = array<i32>} : memref<256xi32, #tpu.memory_space<vmem>>, vector<16xi32>,
    %add3A_89 = arith.addi %mul3A_86, %get3A_88 : vector<16xi32>
    %mul3A_90 = arith.constant 32 : i32
    %mul3A_91 = vector.broadcast %mul3A_90 : i32 to vector<16xi32>
    %mul3A_92 = arith.muli %add3A_89, %mul3A_91 : vector<16xi32>
    %get3A_93 = arith.constant 48 : index
    %get3A_94 = tpu.vector_load %arg9[%get3A_93] {strides = array<i32>} : memref<256xi32, #tpu.memory_space<vmem>>, vector<16xi32>,
    %add3A_95 = arith.addi %mul3A_92, %get3A_94 : vector<16xi32>
    %swap3A_96 = arith.constant 48 : index
    %swap3A_97 = tpu.vector_load %arg10[%swap3A_96] {strides = array<i32>} : memref<256xi32, #tpu.memory_space<vmem>>, vector<16xi32>,
    tpu.vector_store %arg10[%swap3A_96], %add3A_95 {strides = array<i32>} : memref<256xi32, #tpu.memory_space<vmem>>, vector<16xi32>,
    %get3A_98 = arith.constant 64 : index
    %get3A_99 = tpu.vector_load %arg7[%get3A_98] {strides = array<i32>} : memref<256xi32, #tpu.memory_space<vmem>>, vector<16xi32>,
    %mul3A_100 = arith.constant 32 : i32
    %mul3A_101 = vector.broadcast %mul3A_100 : i32 to vector<16xi32>
    %mul3A_102 = arith.muli %get3A_99, %mul3A_101 : vector<16xi32>
    %get3A_103 = arith.constant 64 : index
    %get3A_104 = tpu.vector_load %arg8[%get3A_103] {strides = array<i32>} : memref<256xi32, #tpu.memory_space<vmem>>, vector<16xi32>,
    %add3A_105 = arith.addi %mul3A_102, %get3A_104 : vector<16xi32>
    %mul3A_106 = arith.constant 32 : i32
    %mul3A_107 = vector.broadcast %mul3A_106 : i32 to vector<16xi32>
    %mul3A_108 = arith.muli %add3A_105, %mul3A_107 : vector<16xi32>
    %get3A_109 = arith.constant 64 : index
    %get3A_110 = tpu.vector_load %arg9[%get3A_109] {strides = array<i32>} : memref<256xi32, #tpu.memory_space<vmem>>, vector<16xi32>,
    %add3A_111 = arith.addi %mul3A_108, %get3A_110 : vector<16xi32>
    %swap3A_112 = arith.constant 64 : index
    %swap3A_113 = tpu.vector_load %arg10[%swap3A_112] {strides = array<i32>} : memref<256xi32, #tpu.memory_space<vmem>>, vector<16xi32>,
    tpu.vector_store %arg10[%swap3A_112], %add3A_111 {strides = array<i32>} : memref<256xi32, #tpu.memory_space<vmem>>, vector<16xi32>,
    %get3A_114 = arith.constant 80 : index
    %get3A_115 = tpu.vector_load %arg7[%get3A_114] {strides = array<i32>} : memref<256xi32, #tpu.memory_space<vmem>>, vector<16xi32>,
    %mul3A_116 = arith.constant 32 : i32
    %mul3A_117 = vector.broadcast %mul3A_116 : i32 to vector<16xi32>
    %mul3A_118 = arith.muli %get3A_115, %mul3A_117 : vector<16xi32>
    %get3A_119 = arith.constant 80 : index
    %get3A_120 = tpu.vector_load %arg8[%get3A_119] {strides = array<i32>} : memref<256xi32, #tpu.memory_space<vmem>>, vector<16xi32>,
    %add3A_121 = arith.addi %mul3A_118, %get3A_120 : vector<16xi32>
    %mul3A_122 = arith.constant 32 : i32
    %mul3A_123 = vector.broadcast %mul3A_122 : i32 to vector<16xi32>
    %mul3A_124 = arith.muli %add3A_121, %mul3A_123 : vector<16xi32>
    %get3A_125 = arith.constant 80 : index
    %get3A_126 = tpu.vector_load %arg9[%get3A_125] {strides = array<i32>} : memref<256xi32, #tpu.memory_space<vmem>>, vector<16xi32>,
    %add3A_127 = arith.addi %mul3A_124, %get3A_126 : vector<16xi32>
    %swap3A_128 = arith.constant 80 : index
    %swap3A_129 = tpu.vector_load %arg10[%swap3A_128] {strides = array<i32>} : memref<256xi32, #tpu.memory_space<vmem>>, vector<16xi32>,
    tpu.vector_store %arg10[%swap3A_128], %add3A_127 {strides = array<i32>} : memref<256xi32, #tpu.memory_space<vmem>>, vector<16xi32>,
    %get3A_130 = arith.constant 96 : index
    %get3A_131 = tpu.vector_load %arg7[%get3A_130] {strides = array<i32>} : memref<256xi32, #tpu.memory_space<vmem>>, vector<16xi32>,
    %mul3A_132 = arith.constant 32 : i32
    %mul3A_133 = vector.broadcast %mul3A_132 : i32 to vector<16xi32>
    %mul3A_134 = arith.muli %get3A_131, %mul3A_133 : vector<16xi32>
    %get3A_135 = arith.constant 96 : index
    %get3A_136 = tpu.vector_load %arg8[%get3A_135] {strides = array<i32>} : memref<256xi32, #tpu.memory_space<vmem>>, vector<16xi32>,
    %add3A_137 = arith.addi %mul3A_134, %get3A_136 : vector<16xi32>
    %mul3A_138 = arith.constant 32 : i32
    %mul3A_139 = vector.broadcast %mul3A_138 : i32 to vector<16xi32>
    %mul3A_140 = arith.muli %add3A_137, %mul3A_139 : vector<16xi32>
    %get3A_141 = arith.constant 96 : index
    %get3A_142 = tpu.vector_load %arg9[%get3A_141] {strides = array<i32>} : memref<256xi32, #tpu.memory_space<vmem>>, vector<16xi32>,
    %add3A_143 = arith.addi %mul3A_140, %get3A_142 : vector<16xi32>
    %swap3A_144 = arith.constant 96 : index
    %swap3A_145 = tpu.vector_load %arg10[%swap3A_144] {strides = array<i32>} : memref<256xi32, #tpu.memory_space<vmem>>, vector<16xi32>,
    tpu.vector_store %arg10[%swap3A_144], %add3A_143 {strides = array<i32>} : memref<256xi32, #tpu.memory_space<vmem>>, vector<16xi32>,
    %get3A_146 = arith.constant 112 : index
    %get3A_147 = tpu.vector_load %arg7[%get3A_146] {strides = array<i32>} : memref<256xi32, #tpu.memory_space<vmem>>, vector<16xi32>,
    %mul3A_148 = arith.constant 32 : i32
    %mul3A_149 = vector.broadcast %mul3A_148 : i32 to vector<16xi32>
    %mul3A_150 = arith.muli %get3A_147, %mul3A_149 : vector<16xi32>
    %get3A_151 = arith.constant 112 : index
    %get3A_152 = tpu.vector_load %arg8[%get3A_151] {strides = array<i32>} : memref<256xi32, #tpu.memory_space<vmem>>, vector<16xi32>,
    %add3A_153 = arith.addi %mul3A_150, %get3A_152 : vector<16xi32>
    %mul3A_154 = arith.constant 32 : i32
    %mul3A_155 = vector.broadcast %mul3A_154 : i32 to vector<16xi32>
    %mul3A_156 = arith.muli %add3A_153, %mul3A_155 : vector<16xi32>
    %get3A_157 = arith.constant 112 : index
    %get3A_158 = tpu.vector_load %arg9[%get3A_157] {strides = array<i32>} : memref<256xi32, #tpu.memory_space<vmem>>, vector<16xi32>,
    %add3A_159 = arith.addi %mul3A_156, %get3A_158 : vector<16xi32>
    %swap3A_160 = arith.constant 112 : index
    %swap3A_161 = tpu.vector_load %arg10[%swap3A_160] {strides = array<i32>} : memref<256xi32, #tpu.memory_space<vmem>>, vector<16xi32>,
    tpu.vector_store %arg10[%swap3A_160], %add3A_159 {strides = array<i32>} : memref<256xi32, #tpu.memory_space<vmem>>, vector<16xi32>,
    %get3A_162 = arith.constant 128 : index
    %get3A_163 = tpu.vector_load %arg7[%get3A_162] {strides = array<i32>} : memref<256xi32, #tpu.memory_space<vmem>>, vector<16xi32>,
    %mul3A_164 = arith.constant 32 : i32
    %mul3A_165 = vector.broadcast %mul3A_164 : i32 to vector<16xi32>
    %mul3A_166 = arith.muli %get3A_163, %mul3A_165 : vector<16xi32>
    %get3A_167 = arith.constant 128 : index
    %get3A_168 = tpu.vector_load %arg8[%get3A_167] {strides = array<i32>} : memref<256xi32, #tpu.memory_space<vmem>>, vector<16xi32>,
    %add3A_169 = arith.addi %mul3A_166, %get3A_168 : vector<16xi32>
    %mul3A_170 = arith.constant 32 : i32
    %mul3A_171 = vector.broadcast %mul3A_170 : i32 to vector<16xi32>
    %mul3A_172 = arith.muli %add3A_169, %mul3A_171 : vector<16xi32>
    %get3A_173 = arith.constant 128 : index
    %get3A_174 = tpu.vector_load %arg9[%get3A_173] {strides = array<i32>} : memref<256xi32, #tpu.memory_space<vmem>>, vector<16xi32>,
    %add3A_175 = arith.addi %mul3A_172, %get3A_174 : vector<16xi32>
    %swap3A_176 = arith.constant 128 : index
    %swap3A_177 = tpu.vector_load %arg10[%swap3A_176] {strides = array<i32>} : memref<256xi32, #tpu.memory_space<vmem>>, vector<16xi32>,
    tpu.vector_store %arg10[%swap3A_176], %add3A_175 {strides = array<i32>} : memref<256xi32, #tpu.memory_space<vmem>>, vector<16xi32>,
    %get3A_178 = arith.constant 144 : index
    %get3A_179 = tpu.vector_load %arg7[%get3A_178] {strides = array<i32>} : memref<256xi32, #tpu.memory_space<vmem>>, vector<16xi32>,
    %mul3A_180 = arith.constant 32 : i32
    %mul3A_181 = vector.broadcast %mul3A_180 : i32 to vector<16xi32>
    %mul3A_182 = arith.muli %get3A_179, %mul3A_181 : vector<16xi32>
    %get3A_183 = arith.constant 144 : index
    %get3A_184 = tpu.vector_load %arg8[%get3A_183] {strides = array<i32>} : memref<256xi32, #tpu.memory_space<vmem>>, vector<16xi32>,
    %add3A_185 = arith.addi %mul3A_182, %get3A_184 : vector<16xi32>
    %mul3A_186 = arith.constant 32 : i32
    %mul3A_187 = vector.broadcast %mul3A_186 : i32 to vector<16xi32>
    %mul3A_188 = arith.muli %add3A_185, %mul3A_187 : vector<16xi32>
    %get3A_189 = arith.constant 144 : index
    %get3A_190 = tpu.vector_load %arg9[%get3A_189] {strides = array<i32>} : memref<256xi32, #tpu.memory_space<vmem>>, vector<16xi32>,
    %add3A_191 = arith.addi %mul3A_188, %get3A_190 : vector<16xi32>
    %swap3A_192 = arith.constant 144 : index
    %swap3A_193 = tpu.vector_load %arg10[%swap3A_192] {strides = array<i32>} : memref<256xi32, #tpu.memory_space<vmem>>, vector<16xi32>,
    tpu.vector_store %arg10[%swap3A_192], %add3A_191 {strides = array<i32>} : memref<256xi32, #tpu.memory_space<vmem>>, vector<16xi32>,
    %get3A_194 = arith.constant 160 : index
    %get3A_195 = tpu.vector_load %arg7[%get3A_194] {strides = array<i32>} : memref<256xi32, #tpu.memory_space<vmem>>, vector<16xi32>,
    %mul3A_196 = arith.constant 32 : i32
    %mul3A_197 = vector.broadcast %mul3A_196 : i32 to vector<16xi32>
    %mul3A_198 = arith.muli %get3A_195, %mul3A_197 : vector<16xi32>
    %get3A_199 = arith.constant 160 : index
    %get3A_200 = tpu.vector_load %arg8[%get3A_199] {strides = array<i32>} : memref<256xi32, #tpu.memory_space<vmem>>, vector<16xi32>,
    %add3A_201 = arith.addi %mul3A_198, %get3A_200 : vector<16xi32>
    %mul3A_202 = arith.constant 32 : i32
    %mul3A_203 = vector.broadcast %mul3A_202 : i32 to vector<16xi32>
    %mul3A_204 = arith.muli %add3A_201, %mul3A_203 : vector<16xi32>
    %get3A_205 = arith.constant 160 : index
    %get3A_206 = tpu.vector_load %arg9[%get3A_205] {strides = array<i32>} : memref<256xi32, #tpu.memory_space<vmem>>, vector<16xi32>,
    %add3A_207 = arith.addi %mul3A_204, %get3A_206 : vector<16xi32>
    %swap3A_208 = arith.constant 160 : index
    %swap3A_209 = tpu.vector_load %arg10[%swap3A_208] {strides = array<i32>} : memref<256xi32, #tpu.memory_space<vmem>>, vector<16xi32>,
    tpu.vector_store %arg10[%swap3A_208], %add3A_207 {strides = array<i32>} : memref<256xi32, #tpu.memory_space<vmem>>, vector<16xi32>,
    %get3A_210 = arith.constant 176 : index
    %get3A_211 = tpu.vector_load %arg7[%get3A_210] {strides = array<i32>} : memref<256xi32, #tpu.memory_space<vmem>>, vector<16xi32>,
    %mul3A_212 = arith.constant 32 : i32
    %mul3A_213 = vector.broadcast %mul3A_212 : i32 to vector<16xi32>
    %mul3A_214 = arith.muli %get3A_211, %mul3A_213 : vector<16xi32>
    %get3A_215 = arith.constant 176 : index
    %get3A_216 = tpu.vector_load %arg8[%get3A_215] {strides = array<i32>} : memref<256xi32, #tpu.memory_space<vmem>>, vector<16xi32>,
    %add3A_217 = arith.addi %mul3A_214, %get3A_216 : vector<16xi32>
    %mul3A_218 = arith.constant 32 : i32
    %mul3A_219 = vector.broadcast %mul3A_218 : i32 to vector<16xi32>
    %mul3A_220 = arith.muli %add3A_217, %mul3A_219 : vector<16xi32>
    %get3A_221 = arith.constant 176 : index
    %get3A_222 = tpu.vector_load %arg9[%get3A_221] {strides = array<i32>} : memref<256xi32, #tpu.memory_space<vmem>>, vector<16xi32>,
    %add3A_223 = arith.addi %mul3A_220, %get3A_222 : vector<16xi32>
    %swap3A_224 = arith.constant 176 : index
    %swap3A_225 = tpu.vector_load %arg10[%swap3A_224] {strides = array<i32>} : memref<256xi32, #tpu.memory_space<vmem>>, vector<16xi32>,
    tpu.vector_store %arg10[%swap3A_224], %add3A_223 {strides = array<i32>} : memref<256xi32, #tpu.memory_space<vmem>>, vector<16xi32>,
    %get3A_226 = arith.constant 192 : index
    %get3A_227 = tpu.vector_load %arg7[%get3A_226] {strides = array<i32>} : memref<256xi32, #tpu.memory_space<vmem>>, vector<16xi32>,
    %mul3A_228 = arith.constant 32 : i32
    %mul3A_229 = vector.broadcast %mul3A_228 : i32 to vector<16xi32>
    %mul3A_230 = arith.muli %get3A_227, %mul3A_229 : vector<16xi32>
    %get3A_231 = arith.constant 192 : index
    %get3A_232 = tpu.vector_load %arg8[%get3A_231] {strides = array<i32>} : memref<256xi32, #tpu.memory_space<vmem>>, vector<16xi32>,
    %add3A_233 = arith.addi %mul3A_230, %get3A_232 : vector<16xi32>
    %mul3A_234 = arith.constant 32 : i32
    %mul3A_235 = vector.broadcast %mul3A_234 : i32 to vector<16xi32>
    %mul3A_236 = arith.muli %add3A_233, %mul3A_235 : vector<16xi32>
    %get3A_237 = arith.constant 192 : index
    %get3A_238 = tpu.vector_load %arg9[%get3A_237] {strides = array<i32>} : memref<256xi32, #tpu.memory_space<vmem>>, vector<16xi32>,
    %add3A_239 = arith.addi %mul3A_236, %get3A_238 : vector<16xi32>
    %swap3A_240 = arith.constant 192 : index
    %swap3A_241 = tpu.vector_load %arg10[%swap3A_240] {strides = array<i32>} : memref<256xi32, #tpu.memory_space<vmem>>, vector<16xi32>,
    tpu.vector_store %arg10[%swap3A_240], %add3A_239 {strides = array<i32>} : memref<256xi32, #tpu.memory_space<vmem>>, vector<16xi32>,
    %get3A_242 = arith.constant 208 : index
    %get3A_243 = tpu.vector_load %arg7[%get3A_242] {strides = array<i32>} : memref<256xi32, #tpu.memory_space<vmem>>, vector<16xi32>,
    %mul3A_244 = arith.constant 32 : i32
    %mul3A_245 = vector.broadcast %mul3A_244 : i32 to vector<16xi32>
    %mul3A_246 = arith.muli %get3A_243, %mul3A_245 : vector<16xi32>
    %get3A_247 = arith.constant 208 : index
    %get3A_248 = tpu.vector_load %arg8[%get3A_247] {strides = array<i32>} : memref<256xi32, #tpu.memory_space<vmem>>, vector<16xi32>,
    %add3A_249 = arith.addi %mul3A_246, %get3A_248 : vector<16xi32>
    %mul3A_250 = arith.constant 32 : i32
    %mul3A_251 = vector.broadcast %mul3A_250 : i32 to vector<16xi32>
    %mul3A_252 = arith.muli %add3A_249, %mul3A_251 : vector<16xi32>
    %get3A_253 = arith.constant 208 : index
    %get3A_254 = tpu.vector_load %arg9[%get3A_253] {strides = array<i32>} : memref<256xi32, #tpu.memory_space<vmem>>, vector<16xi32>,
    %add3A_255 = arith.addi %mul3A_252, %get3A_254 : vector<16xi32>
    %swap3A_256 = arith.constant 208 : index
    %swap3A_257 = tpu.vector_load %arg10[%swap3A_256] {strides = array<i32>} : memref<256xi32, #tpu.memory_space<vmem>>, vector<16xi32>,
    tpu.vector_store %arg10[%swap3A_256], %add3A_255 {strides = array<i32>} : memref<256xi32, #tpu.memory_space<vmem>>, vector<16xi32>,
    %get3A_258 = arith.constant 224 : index
    %get3A_259 = tpu.vector_load %arg7[%get3A_258] {strides = array<i32>} : memref<256xi32, #tpu.memory_space<vmem>>, vector<16xi32>,
    %mul3A_260 = arith.constant 32 : i32
    %mul3A_261 = vector.broadcast %mul3A_260 : i32 to vector<16xi32>
    %mul3A_262 = arith.muli %get3A_259, %mul3A_261 : vector<16xi32>
    %get3A_263 = arith.constant 224 : index
    %get3A_264 = tpu.vector_load %arg8[%get3A_263] {strides = array<i32>} : memref<256xi32, #tpu.memory_space<vmem>>, vector<16xi32>,
    %add3A_265 = arith.addi %mul3A_262, %get3A_264 : vector<16xi32>
    %mul3A_266 = arith.constant 32 : i32
    %mul3A_267 = vector.broadcast %mul3A_266 : i32 to vector<16xi32>
    %mul3A_268 = arith.muli %add3A_265, %mul3A_267 : vector<16xi32>
    %get3A_269 = arith.constant 224 : index
    %get3A_270 = tpu.vector_load %arg9[%get3A_269] {strides = array<i32>} : memref<256xi32, #tpu.memory_space<vmem>>, vector<16xi32>,
    %add3A_271 = arith.addi %mul3A_268, %get3A_270 : vector<16xi32>
    %swap3A_272 = arith.constant 224 : index
    %swap3A_273 = tpu.vector_load %arg10[%swap3A_272] {strides = array<i32>} : memref<256xi32, #tpu.memory_space<vmem>>, vector<16xi32>,
    tpu.vector_store %arg10[%swap3A_272], %add3A_271 {strides = array<i32>} : memref<256xi32, #tpu.memory_space<vmem>>, vector<16xi32>,
    %get3A_274 = arith.constant 240 : index
    %get3A_275 = tpu.vector_load %arg7[%get3A_274] {strides = array<i32>} : memref<256xi32, #tpu.memory_space<vmem>>, vector<16xi32>,
    %mul3A_276 = arith.constant 32 : i32
    %mul3A_277 = vector.broadcast %mul3A_276 : i32 to vector<16xi32>
    %mul3A_278 = arith.muli %get3A_275, %mul3A_277 : vector<16xi32>
    %get3A_279 = arith.constant 240 : index
    %get3A_280 = tpu.vector_load %arg8[%get3A_279] {strides = array<i32>} : memref<256xi32, #tpu.memory_space<vmem>>, vector<16xi32>,
    %add3A_281 = arith.addi %mul3A_278, %get3A_280 : vector<16xi32>
    %mul3A_282 = arith.constant 32 : i32
    %mul3A_283 = vector.broadcast %mul3A_282 : i32 to vector<16xi32>
    %mul3A_284 = arith.muli %add3A_281, %mul3A_283 : vector<16xi32>
    %get3A_285 = arith.constant 240 : index
    %get3A_286 = tpu.vector_load %arg9[%get3A_285] {strides = array<i32>} : memref<256xi32, #tpu.memory_space<vmem>>, vector<16xi32>,
    %add3A_287 = arith.addi %mul3A_284, %get3A_286 : vector<16xi32>
    %swap3A_288 = arith.constant 240 : index
    %swap3A_289 = tpu.vector_load %arg10[%swap3A_288] {strides = array<i32>} : memref<256xi32, #tpu.memory_space<vmem>>, vector<16xi32>,
    tpu.vector_store %arg10[%swap3A_288], %add3A_287 {strides = array<i32>} : memref<256xi32, #tpu.memory_space<vmem>>, vector<16xi32>,
    %mul3A_290 = arith.constant 256 : i32
    %mul3A_291 = arith.muli %select_n3A, %mul3A_290 : i32
    %add3A_292 = arith.constant 0 : i32
    %add3A_293 = arith.addi %mul3A_291, %add3A_292 : i32
    %multiple_of3A_294 = tpu.assume_multiple %add3A_293, 128 : i32
    %dma_start3A = arith.constant 0 : i32
    %dma_start3A_295 = arith.constant 0 : i32
    %dma_start3A_296 = arith.constant 0 : i32
    %dma_start3A_297 = tpu.memref_slice %arg11[%dma_start3A, %dma_start3A_295, %dma_start3A_296] : memref<2x16x512xf32, #tpu.memory_space<vmem>> -> memref<1x16x512xf32, #tpu.memory_space<vmem>>
    %dma_start3A_298 = tpu.memref_squeeze %dma_start3A_297 : memref<1x16x512xf32, #tpu.memory_space<vmem>> -> memref<16x512xf32, #tpu.memory_space<vmem>>
    %dma_start3A_299 = arith.constant 0 : i32
    %dma_start3A_300 = tpu.memref_slice %arg10[%dma_start3A_299] : memref<256xi32, #tpu.memory_space<vmem>> -> memref<16xi32, #tpu.memory_space<vmem>>
    %dma_start3A_301 = arith.constant 0 : i32
    %dma_start3A_302 = tpu.memref_slice %arg2[%dma_start3A_301, %multiple_of3A] : memref<65536x1024xf32, #tpu.memory_space<hbm>> -> memref<65536x512xf32, #tpu.memory_space<hbm>>
    %dma_start3A_303 = arith.constant 0 : i32
    %dma_start3A_304 = arith.constant 0 : i32
    %dma_start3A_305 = tpu.memref_slice %dma_start3A_302[%dma_start3A_303, %dma_start3A_304] : memref<65536x512xf32, #tpu.memory_space<hbm>> -> memref<65536x512xf32, #tpu.memory_space<hbm>>
    tpu.enqueue_indirect_dma source(%dma_start3A_305 : memref<65536x512xf32, #tpu.memory_space<hbm>>) target(%dma_start3A_298 : memref<16x512xf32, #tpu.memory_space<vmem>>) offsets(%dma_start3A_300 : memref<16xi32, #tpu.memory_space<vmem>>) semaphore(%arg13 : memref<!tpu.dma_semaphore, #tpu.memory_space<semaphore_mem>>)
    %dma_start3A_306 = arith.constant 1 : i32
    %dma_start3A_307 = arith.constant 0 : i32
    %dma_start3A_308 = arith.constant 0 : i32
    %dma_start3A_309 = tpu.memref_slice %arg11[%dma_start3A_306, %dma_start3A_307, %dma_start3A_308] : memref<2x16x512xf32, #tpu.memory_space<vmem>> -> memref<1x16x512xf32, #tpu.memory_space<vmem>>
    %dma_start3A_310 = tpu.memref_squeeze %dma_start3A_309 : memref<1x16x512xf32, #tpu.memory_space<vmem>> -> memref<16x512xf32, #tpu.memory_space<vmem>>
    %dma_start3A_311 = arith.constant 16 : i32
    %dma_start3A_312 = tpu.memref_slice %arg10[%dma_start3A_311] : memref<256xi32, #tpu.memory_space<vmem>> -> memref<16xi32, #tpu.memory_space<vmem>>
    %dma_start3A_313 = arith.constant 0 : i32
    %dma_start3A_314 = tpu.memref_slice %arg2[%dma_start3A_313, %multiple_of3A] : memref<65536x1024xf32, #tpu.memory_space<hbm>> -> memref<65536x512xf32, #tpu.memory_space<hbm>>
    %dma_start3A_315 = arith.constant 0 : i32
    %dma_start3A_316 = arith.constant 0 : i32
    %dma_start3A_317 = tpu.memref_slice %dma_start3A_314[%dma_start3A_315, %dma_start3A_316] : memref<65536x512xf32, #tpu.memory_space<hbm>> -> memref<65536x512xf32, #tpu.memory_space<hbm>>
    tpu.enqueue_indirect_dma source(%dma_start3A_317 : memref<65536x512xf32, #tpu.memory_space<hbm>>) target(%dma_start3A_310 : memref<16x512xf32, #tpu.memory_space<vmem>>) offsets(%dma_start3A_312 : memref<16xi32, #tpu.memory_space<vmem>>) semaphore(%arg13 : memref<!tpu.dma_semaphore, #tpu.memory_space<semaphore_mem>>)
    %dma_wait3A = arith.constant 0 : i32
    %dma_wait3A_318 = arith.constant 0 : i32
    %dma_wait3A_319 = arith.constant 0 : i32
    %dma_wait3A_320 = tpu.memref_slice %arg11[%dma_wait3A, %dma_wait3A_318, %dma_wait3A_319] : memref<2x16x512xf32, #tpu.memory_space<vmem>> -> memref<1x16x512xf32, #tpu.memory_space<vmem>>
    %dma_wait3A_321 = tpu.memref_squeeze %dma_wait3A_320 : memref<1x16x512xf32, #tpu.memory_space<vmem>> -> memref<16x512xf32, #tpu.memory_space<vmem>>
    %dma_wait3A_322 = arith.constant 0 : i32
    %dma_wait3A_323 = arith.constant 0 : i32
    %dma_wait3A_324 = tpu.memref_slice %arg2[%dma_wait3A_322, %dma_wait3A_323] : memref<65536x1024xf32, #tpu.memory_space<hbm>> -> memref<16x512xf32, #tpu.memory_space<hbm>>
    %dma_wait3A_325 = arith.constant 0 : i32
    %dma_wait3A_326 = arith.constant 0 : i32
    %dma_wait3A_327 = tpu.memref_slice %arg11[%dma_wait3A, %dma_wait3A_325, %dma_wait3A_326] : memref<2x16x512xf32, #tpu.memory_space<vmem>> -> memref<1x16x512xf32, #tpu.memory_space<vmem>>
    %dma_wait3A_328 = tpu.memref_squeeze %dma_wait3A_327 : memref<1x16x512xf32, #tpu.memory_space<vmem>> -> memref<16x512xf32, #tpu.memory_space<vmem>>
    %dma_wait3A_329 = arith.constant 0 : i32
    %dma_wait3A_330 = arith.constant 0 : i32
    %dma_wait3A_331 = tpu.memref_slice %arg2[%dma_wait3A_329, %dma_wait3A_330] : memref<65536x1024xf32, #tpu.memory_space<hbm>> -> memref<16x512xf32, #tpu.memory_space<hbm>>
    tpu.wait_dma2 semaphore(%arg13 : memref<!tpu.dma_semaphore, #tpu.memory_space<semaphore_mem>>) src(%dma_wait3A_331 : memref<16x512xf32, #tpu.memory_space<hbm>>) dst(%dma_wait3A_328 : memref<16x512xf32, #tpu.memory_space<vmem>>)
    %dma_start3A_332 = arith.constant 0 : i32
    %dma_start3A_333 = arith.constant 0 : i32
    %dma_start3A_334 = arith.constant 0 : i32
    %dma_start3A_335 = tpu.memref_slice %arg11[%dma_start3A_332, %dma_start3A_333, %dma_start3A_334] : memref<2x16x512xf32, #tpu.memory_space<vmem>> -> memref<1x16x512xf32, #tpu.memory_space<vmem>>
    %dma_start3A_336 = tpu.memref_squeeze %dma_start3A_335 : memref<1x16x512xf32, #tpu.memory_space<vmem>> -> memref<16x512xf32, #tpu.memory_space<vmem>>
    %dma_start3A_337 = arith.constant 32 : i32
    %dma_start3A_338 = tpu.memref_slice %arg10[%dma_start3A_337] : memref<256xi32, #tpu.memory_space<vmem>> -> memref<16xi32, #tpu.memory_space<vmem>>
    %dma_start3A_339 = arith.constant 0 : i32
    %dma_start3A_340 = tpu.memref_slice %arg2[%dma_start3A_339, %multiple_of3A] : memref<65536x1024xf32, #tpu.memory_space<hbm>> -> memref<65536x512xf32, #tpu.memory_space<hbm>>
    %dma_start3A_341 = arith.constant 0 : i32
    %dma_start3A_342 = arith.constant 0 : i32
    %dma_start3A_343 = tpu.memref_slice %dma_start3A_340[%dma_start3A_341, %dma_start3A_342] : memref<65536x512xf32, #tpu.memory_space<hbm>> -> memref<65536x512xf32, #tpu.memory_space<hbm>>
    tpu.enqueue_indirect_dma source(%dma_start3A_343 : memref<65536x512xf32, #tpu.memory_space<hbm>>) target(%dma_start3A_336 : memref<16x512xf32, #tpu.memory_space<vmem>>) offsets(%dma_start3A_338 : memref<16xi32, #tpu.memory_space<vmem>>) semaphore(%arg13 : memref<!tpu.dma_semaphore, #tpu.memory_space<semaphore_mem>>)
    %dma_wait3A_344 = arith.constant 1 : i32
    %dma_wait3A_345 = arith.constant 0 : i32
    %dma_wait3A_346 = arith.constant 0 : i32
    %dma_wait3A_347 = tpu.memref_slice %arg11[%dma_wait3A_344, %dma_wait3A_345, %dma_wait3A_346] : memref<2x16x512xf32, #tpu.memory_space<vmem>> -> memref<1x16x512xf32, #tpu.memory_space<vmem>>
    %dma_wait3A_348 = tpu.memref_squeeze %dma_wait3A_347 : memref<1x16x512xf32, #tpu.memory_space<vmem>> -> memref<16x512xf32, #tpu.memory_space<vmem>>
    %dma_wait3A_349 = arith.constant 0 : i32
    %dma_wait3A_350 = arith.constant 0 : i32
    %dma_wait3A_351 = tpu.memref_slice %arg2[%dma_wait3A_349, %dma_wait3A_350] : memref<65536x1024xf32, #tpu.memory_space<hbm>> -> memref<16x512xf32, #tpu.memory_space<hbm>>
    %dma_wait3A_352 = arith.constant 0 : i32
    %dma_wait3A_353 = arith.constant 0 : i32
    %dma_wait3A_354 = tpu.memref_slice %arg11[%dma_wait3A_344, %dma_wait3A_352, %dma_wait3A_353] : memref<2x16x512xf32, #tpu.memory_space<vmem>> -> memref<1x16x512xf32, #tpu.memory_space<vmem>>
    %dma_wait3A_355 = tpu.memref_squeeze %dma_wait3A_354 : memref<1x16x512xf32, #tpu.memory_space<vmem>> -> memref<16x512xf32, #tpu.memory_space<vmem>>
    %dma_wait3A_356 = arith.constant 0 : i32
    %dma_wait3A_357 = arith.constant 0 : i32
    %dma_wait3A_358 = tpu.memref_slice %arg2[%dma_wait3A_356, %dma_wait3A_357] : memref<65536x1024xf32, #tpu.memory_space<hbm>> -> memref<16x512xf32, #tpu.memory_space<hbm>>
    tpu.wait_dma2 semaphore(%arg13 : memref<!tpu.dma_semaphore, #tpu.memory_space<semaphore_mem>>) src(%dma_wait3A_358 : memref<16x512xf32, #tpu.memory_space<hbm>>) dst(%dma_wait3A_355 : memref<16x512xf32, #tpu.memory_space<vmem>>)
    %dma_start3A_359 = arith.constant 1 : i32
    %dma_start3A_360 = arith.constant 0 : i32
    %dma_start3A_361 = arith.constant 0 : i32
    %dma_start3A_362 = tpu.memref_slice %arg11[%dma_start3A_359, %dma_start3A_360, %dma_start3A_361] : memref<2x16x512xf32, #tpu.memory_space<vmem>> -> memref<1x16x512xf32, #tpu.memory_space<vmem>>
    %dma_start3A_363 = tpu.memref_squeeze %dma_start3A_362 : memref<1x16x512xf32, #tpu.memory_space<vmem>> -> memref<16x512xf32, #tpu.memory_space<vmem>>
    %dma_start3A_364 = arith.constant 48 : i32
    %dma_start3A_365 = tpu.memref_slice %arg10[%dma_start3A_364] : memref<256xi32, #tpu.memory_space<vmem>> -> memref<16xi32, #tpu.memory_space<vmem>>
    %dma_start3A_366 = arith.constant 0 : i32
    %dma_start3A_367 = tpu.memref_slice %arg2[%dma_start3A_366, %multiple_of3A] : memref<65536x1024xf32, #tpu.memory_space<hbm>> -> memref<65536x512xf32, #tpu.memory_space<hbm>>
    %dma_start3A_368 = arith.constant 0 : i32
    %dma_start3A_369 = arith.constant 0 : i32
    %dma_start3A_370 = tpu.memref_slice %dma_start3A_367[%dma_start3A_368, %dma_start3A_369] : memref<65536x512xf32, #tpu.memory_space<hbm>> -> memref<65536x512xf32, #tpu.memory_space<hbm>>
    tpu.enqueue_indirect_dma source(%dma_start3A_370 : memref<65536x512xf32, #tpu.memory_space<hbm>>) target(%dma_start3A_363 : memref<16x512xf32, #tpu.memory_space<vmem>>) offsets(%dma_start3A_365 : memref<16xi32, #tpu.memory_space<vmem>>) semaphore(%arg13 : memref<!tpu.dma_semaphore, #tpu.memory_space<semaphore_mem>>)
    %dma_wait3A_371 = arith.constant 0 : i32
    %dma_wait3A_372 = arith.constant 0 : i32
    %dma_wait3A_373 = arith.constant 0 : i32
    %dma_wait3A_374 = tpu.memref_slice %arg11[%dma_wait3A_371, %dma_wait3A_372, %dma_wait3A_373] : memref<2x16x512xf32, #tpu.memory_space<vmem>> -> memref<1x16x512xf32, #tpu.memory_space<vmem>>
    %dma_wait3A_375 = tpu.memref_squeeze %dma_wait3A_374 : memref<1x16x512xf32, #tpu.memory_space<vmem>> -> memref<16x512xf32, #tpu.memory_space<vmem>>
    %dma_wait3A_376 = arith.constant 0 : i32
    %dma_wait3A_377 = arith.constant 0 : i32
    %dma_wait3A_378 = tpu.memref_slice %arg2[%dma_wait3A_376, %dma_wait3A_377] : memref<65536x1024xf32, #tpu.memory_space<hbm>> -> memref<16x512xf32, #tpu.memory_space<hbm>>
    %dma_wait3A_379 = arith.constant 0 : i32
    %dma_wait3A_380 = arith.constant 0 : i32
    %dma_wait3A_381 = tpu.memref_slice %arg11[%dma_wait3A_371, %dma_wait3A_379, %dma_wait3A_380] : memref<2x16x512xf32, #tpu.memory_space<vmem>> -> memref<1x16x512xf32, #tpu.memory_space<vmem>>
    %dma_wait3A_382 = tpu.memref_squeeze %dma_wait3A_381 : memref<1x16x512xf32, #tpu.memory_space<vmem>> -> memref<16x512xf32, #tpu.memory_space<vmem>>
    %dma_wait3A_383 = arith.constant 0 : i32
    %dma_wait3A_384 = arith.constant 0 : i32
    %dma_wait3A_385 = tpu.memref_slice %arg2[%dma_wait3A_383, %dma_wait3A_384] : memref<65536x1024xf32, #tpu.memory_space<hbm>> -> memref<16x512xf32, #tpu.memory_space<hbm>>
    tpu.wait_dma2 semaphore(%arg13 : memref<!tpu.dma_semaphore, #tpu.memory_space<semaphore_mem>>) src(%dma_wait3A_385 : memref<16x512xf32, #tpu.memory_space<hbm>>) dst(%dma_wait3A_382 : memref<16x512xf32, #tpu.memory_space<vmem>>)
    %dma_start3A_386 = arith.constant 0 : i32
    %dma_start3A_387 = arith.constant 0 : i32
    %dma_start3A_388 = arith.constant 0 : i32
    %dma_start3A_389 = tpu.memref_slice %arg11[%dma_start3A_386, %dma_start3A_387, %dma_start3A_388] : memref<2x16x512xf32, #tpu.memory_space<vmem>> -> memref<1x16x512xf32, #tpu.memory_space<vmem>>
    %dma_start3A_390 = tpu.memref_squeeze %dma_start3A_389 : memref<1x16x512xf32, #tpu.memory_space<vmem>> -> memref<16x512xf32, #tpu.memory_space<vmem>>
    %dma_start3A_391 = arith.constant 64 : i32
    %dma_start3A_392 = tpu.memref_slice %arg10[%dma_start3A_391] : memref<256xi32, #tpu.memory_space<vmem>> -> memref<16xi32, #tpu.memory_space<vmem>>
    %dma_start3A_393 = arith.constant 0 : i32
    %dma_start3A_394 = tpu.memref_slice %arg2[%dma_start3A_393, %multiple_of3A] : memref<65536x1024xf32, #tpu.memory_space<hbm>> -> memref<65536x512xf32, #tpu.memory_space<hbm>>
    %dma_start3A_395 = arith.constant 0 : i32
    %dma_start3A_396 = arith.constant 0 : i32
    %dma_start3A_397 = tpu.memref_slice %dma_start3A_394[%dma_start3A_395, %dma_start3A_396] : memref<65536x512xf32, #tpu.memory_space<hbm>> -> memref<65536x512xf32, #tpu.memory_space<hbm>>
    tpu.enqueue_indirect_dma source(%dma_start3A_397 : memref<65536x512xf32, #tpu.memory_space<hbm>>) target(%dma_start3A_390 : memref<16x512xf32, #tpu.memory_space<vmem>>) offsets(%dma_start3A_392 : memref<16xi32, #tpu.memory_space<vmem>>) semaphore(%arg13 : memref<!tpu.dma_semaphore, #tpu.memory_space<semaphore_mem>>)
    %dma_wait3A_398 = arith.constant 1 : i32
    %dma_wait3A_399 = arith.constant 0 : i32
    %dma_wait3A_400 = arith.constant 0 : i32
    %dma_wait3A_401 = tpu.memref_slice %arg11[%dma_wait3A_398, %dma_wait3A_399, %dma_wait3A_400] : memref<2x16x512xf32, #tpu.memory_space<vmem>> -> memref<1x16x512xf32, #tpu.memory_space<vmem>>
    %dma_wait3A_402 = tpu.memref_squeeze %dma_wait3A_401 : memref<1x16x512xf32, #tpu.memory_space<vmem>> -> memref<16x512xf32, #tpu.memory_space<vmem>>
    %dma_wait3A_403 = arith.constant 0 : i32
    %dma_wait3A_404 = arith.constant 0 : i32
    %dma_wait3A_405 = tpu.memref_slice %arg2[%dma_wait3A_403, %dma_wait3A_404] : memref<65536x1024xf32, #tpu.memory_space<hbm>> -> memref<16x512xf32, #tpu.memory_space<hbm>>
    %dma_wait3A_406 = arith.constant 0 : i32
    %dma_wait3A_407 = arith.constant 0 : i32
    %dma_wait3A_408 = tpu.memref_slice %arg11[%dma_wait3A_398, %dma_wait3A_406, %dma_wait3A_407] : memref<2x16x512xf32, #tpu.memory_space<vmem>> -> memref<1x16x512xf32, #tpu.memory_space<vmem>>
    %dma_wait3A_409 = tpu.memref_squeeze %dma_wait3A_408 : memref<1x16x512xf32, #tpu.memory_space<vmem>> -> memref<16x512xf32, #tpu.memory_space<vmem>>
    %dma_wait3A_410 = arith.constant 0 : i32
    %dma_wait3A_411 = arith.constant 0 : i32
    %dma_wait3A_412 = tpu.memref_slice %arg2[%dma_wait3A_410, %dma_wait3A_411] : memref<65536x1024xf32, #tpu.memory_space<hbm>> -> memref<16x512xf32, #tpu.memory_space<hbm>>
    tpu.wait_dma2 semaphore(%arg13 : memref<!tpu.dma_semaphore, #tpu.memory_space<semaphore_mem>>) src(%dma_wait3A_412 : memref<16x512xf32, #tpu.memory_space<hbm>>) dst(%dma_wait3A_409 : memref<16x512xf32, #tpu.memory_space<vmem>>)
    %dma_start3A_413 = arith.constant 1 : i32
    %dma_start3A_414 = arith.constant 0 : i32
    %dma_start3A_415 = arith.constant 0 : i32
    %dma_start3A_416 = tpu.memref_slice %arg11[%dma_start3A_413, %dma_start3A_414, %dma_start3A_415] : memref<2x16x512xf32, #tpu.memory_space<vmem>> -> memref<1x16x512xf32, #tpu.memory_space<vmem>>
    %dma_start3A_417 = tpu.memref_squeeze %dma_start3A_416 : memref<1x16x512xf32, #tpu.memory_space<vmem>> -> memref<16x512xf32, #tpu.memory_space<vmem>>
    %dma_start3A_418 = arith.constant 80 : i32
    %dma_start3A_419 = tpu.memref_slice %arg10[%dma_start3A_418] : memref<256xi32, #tpu.memory_space<vmem>> -> memref<16xi32, #tpu.memory_space<vmem>>
    %dma_start3A_420 = arith.constant 0 : i32
    %dma_start3A_421 = tpu.memref_slice %arg2[%dma_start3A_420, %multiple_of3A] : memref<65536x1024xf32, #tpu.memory_space<hbm>> -> memref<65536x512xf32, #tpu.memory_space<hbm>>
    %dma_start3A_422 = arith.constant 0 : i32
    %dma_start3A_423 = arith.constant 0 : i32
    %dma_start3A_424 = tpu.memref_slice %dma_start3A_421[%dma_start3A_422, %dma_start3A_423] : memref<65536x512xf32, #tpu.memory_space<hbm>> -> memref<65536x512xf32, #tpu.memory_space<hbm>>
    tpu.enqueue_indirect_dma source(%dma_start3A_424 : memref<65536x512xf32, #tpu.memory_space<hbm>>) target(%dma_start3A_417 : memref<16x512xf32, #tpu.memory_space<vmem>>) offsets(%dma_start3A_419 : memref<16xi32, #tpu.memory_space<vmem>>) semaphore(%arg13 : memref<!tpu.dma_semaphore, #tpu.memory_space<semaphore_mem>>)
    %dma_wait3A_425 = arith.constant 0 : i32
    %dma_wait3A_426 = arith.constant 0 : i32
    %dma_wait3A_427 = arith.constant 0 : i32
    %dma_wait3A_428 = tpu.memref_slice %arg11[%dma_wait3A_425, %dma_wait3A_426, %dma_wait3A_427] : memref<2x16x512xf32, #tpu.memory_space<vmem>> -> memref<1x16x512xf32, #tpu.memory_space<vmem>>
    %dma_wait3A_429 = tpu.memref_squeeze %dma_wait3A_428 : memref<1x16x512xf32, #tpu.memory_space<vmem>> -> memref<16x512xf32, #tpu.memory_space<vmem>>
    %dma_wait3A_430 = arith.constant 0 : i32
    %dma_wait3A_431 = arith.constant 0 : i32
    %dma_wait3A_432 = tpu.memref_slice %arg2[%dma_wait3A_430, %dma_wait3A_431] : memref<65536x1024xf32, #tpu.memory_space<hbm>> -> memref<16x512xf32, #tpu.memory_space<hbm>>
    %dma_wait3A_433 = arith.constant 0 : i32
    %dma_wait3A_434 = arith.constant 0 : i32
    %dma_wait3A_435 = tpu.memref_slice %arg11[%dma_wait3A_425, %dma_wait3A_433, %dma_wait3A_434] : memref<2x16x512xf32, #tpu.memory_space<vmem>> -> memref<1x16x512xf32, #tpu.memory_space<vmem>>
    %dma_wait3A_436 = tpu.memref_squeeze %dma_wait3A_435 : memref<1x16x512xf32, #tpu.memory_space<vmem>> -> memref<16x512xf32, #tpu.memory_space<vmem>>
    %dma_wait3A_437 = arith.constant 0 : i32
    %dma_wait3A_438 = arith.constant 0 : i32
    %dma_wait3A_439 = tpu.memref_slice %arg2[%dma_wait3A_437, %dma_wait3A_438] : memref<65536x1024xf32, #tpu.memory_space<hbm>> -> memref<16x512xf32, #tpu.memory_space<hbm>>
    tpu.wait_dma2 semaphore(%arg13 : memref<!tpu.dma_semaphore, #tpu.memory_space<semaphore_mem>>) src(%dma_wait3A_439 : memref<16x512xf32, #tpu.memory_space<hbm>>) dst(%dma_wait3A_436 : memref<16x512xf32, #tpu.memory_space<vmem>>)
    %dma_start3A_440 = arith.constant 0 : i32
    %dma_start3A_441 = arith.constant 0 : i32
    %dma_start3A_442 = arith.constant 0 : i32
    %dma_start3A_443 = tpu.memref_slice %arg11[%dma_start3A_440, %dma_start3A_441, %dma_start3A_442] : memref<2x16x512xf32, #tpu.memory_space<vmem>> -> memref<1x16x512xf32, #tpu.memory_space<vmem>>
    %dma_start3A_444 = tpu.memref_squeeze %dma_start3A_443 : memref<1x16x512xf32, #tpu.memory_space<vmem>> -> memref<16x512xf32, #tpu.memory_space<vmem>>
    %dma_start3A_445 = arith.constant 96 : i32
    %dma_start3A_446 = tpu.memref_slice %arg10[%dma_start3A_445] : memref<256xi32, #tpu.memory_space<vmem>> -> memref<16xi32, #tpu.memory_space<vmem>>
    %dma_start3A_447 = arith.constant 0 : i32
    %dma_start3A_448 = tpu.memref_slice %arg2[%dma_start3A_447, %multiple_of3A] : memref<65536x1024xf32, #tpu.memory_space<hbm>> -> memref<65536x512xf32, #tpu.memory_space<hbm>>
    %dma_start3A_449 = arith.constant 0 : i32
    %dma_start3A_450 = arith.constant 0 : i32
    %dma_start3A_451 = tpu.memref_slice %dma_start3A_448[%dma_start3A_449, %dma_start3A_450] : memref<65536x512xf32, #tpu.memory_space<hbm>> -> memref<65536x512xf32, #tpu.memory_space<hbm>>
    tpu.enqueue_indirect_dma source(%dma_start3A_451 : memref<65536x512xf32, #tpu.memory_space<hbm>>) target(%dma_start3A_444 : memref<16x512xf32, #tpu.memory_space<vmem>>) offsets(%dma_start3A_446 : memref<16xi32, #tpu.memory_space<vmem>>) semaphore(%arg13 : memref<!tpu.dma_semaphore, #tpu.memory_space<semaphore_mem>>)
    %dma_wait3A_452 = arith.constant 1 : i32
    %dma_wait3A_453 = arith.constant 0 : i32
    %dma_wait3A_454 = arith.constant 0 : i32
    %dma_wait3A_455 = tpu.memref_slice %arg11[%dma_wait3A_452, %dma_wait3A_453, %dma_wait3A_454] : memref<2x16x512xf32, #tpu.memory_space<vmem>> -> memref<1x16x512xf32, #tpu.memory_space<vmem>>
    %dma_wait3A_456 = tpu.memref_squeeze %dma_wait3A_455 : memref<1x16x512xf32, #tpu.memory_space<vmem>> -> memref<16x512xf32, #tpu.memory_space<vmem>>
    %dma_wait3A_457 = arith.constant 0 : i32
    %dma_wait3A_458 = arith.constant 0 : i32
    %dma_wait3A_459 = tpu.memref_slice %arg2[%dma_wait3A_457, %dma_wait3A_458] : memref<65536x1024xf32, #tpu.memory_space<hbm>> -> memref<16x512xf32, #tpu.memory_space<hbm>>
    %dma_wait3A_460 = arith.constant 0 : i32
    %dma_wait3A_461 = arith.constant 0 : i32
    %dma_wait3A_462 = tpu.memref_slice %arg11[%dma_wait3A_452, %dma_wait3A_460, %dma_wait3A_461] : memref<2x16x512xf32, #tpu.memory_space<vmem>> -> memref<1x16x512xf32, #tpu.memory_space<vmem>>
    %dma_wait3A_463 = tpu.memref_squeeze %dma_wait3A_462 : memref<1x16x512xf32, #tpu.memory_space<vmem>> -> memref<16x512xf32, #tpu.memory_space<vmem>>
    %dma_wait3A_464 = arith.constant 0 : i32
    %dma_wait3A_465 = arith.constant 0 : i32
    %dma_wait3A_466 = tpu.memref_slice %arg2[%dma_wait3A_464, %dma_wait3A_465] : memref<65536x1024xf32, #tpu.memory_space<hbm>> -> memref<16x512xf32, #tpu.memory_space<hbm>>
    tpu.wait_dma2 semaphore(%arg13 : memref<!tpu.dma_semaphore, #tpu.memory_space<semaphore_mem>>) src(%dma_wait3A_466 : memref<16x512xf32, #tpu.memory_space<hbm>>) dst(%dma_wait3A_463 : memref<16x512xf32, #tpu.memory_space<vmem>>)
    %dma_start3A_467 = arith.constant 1 : i32
    %dma_start3A_468 = arith.constant 0 : i32
    %dma_start3A_469 = arith.constant 0 : i32
    %dma_start3A_470 = tpu.memref_slice %arg11[%dma_start3A_467, %dma_start3A_468, %dma_start3A_469] : memref<2x16x512xf32, #tpu.memory_space<vmem>> -> memref<1x16x512xf32, #tpu.memory_space<vmem>>
    %dma_start3A_471 = tpu.memref_squeeze %dma_start3A_470 : memref<1x16x512xf32, #tpu.memory_space<vmem>> -> memref<16x512xf32, #tpu.memory_space<vmem>>
    %dma_start3A_472 = arith.constant 112 : i32
    %dma_start3A_473 = tpu.memref_slice %arg10[%dma_start3A_472] : memref<256xi32, #tpu.memory_space<vmem>> -> memref<16xi32, #tpu.memory_space<vmem>>
    %dma_start3A_474 = arith.constant 0 : i32
    %dma_start3A_475 = tpu.memref_slice %arg2[%dma_start3A_474, %multiple_of3A] : memref<65536x1024xf32, #tpu.memory_space<hbm>> -> memref<65536x512xf32, #tpu.memory_space<hbm>>
    %dma_start3A_476 = arith.constant 0 : i32
    %dma_start3A_477 = arith.constant 0 : i32
    %dma_start3A_478 = tpu.memref_slice %dma_start3A_475[%dma_start3A_476, %dma_start3A_477] : memref<65536x512xf32, #tpu.memory_space<hbm>> -> memref<65536x512xf32, #tpu.memory_space<hbm>>
    tpu.enqueue_indirect_dma source(%dma_start3A_478 : memref<65536x512xf32, #tpu.memory_space<hbm>>) target(%dma_start3A_471 : memref<16x512xf32, #tpu.memory_space<vmem>>) offsets(%dma_start3A_473 : memref<16xi32, #tpu.memory_space<vmem>>) semaphore(%arg13 : memref<!tpu.dma_semaphore, #tpu.memory_space<semaphore_mem>>)
    %dma_wait3A_479 = arith.constant 0 : i32
    %dma_wait3A_480 = arith.constant 0 : i32
    %dma_wait3A_481 = arith.constant 0 : i32
    %dma_wait3A_482 = tpu.memref_slice %arg11[%dma_wait3A_479, %dma_wait3A_480, %dma_wait3A_481] : memref<2x16x512xf32, #tpu.memory_space<vmem>> -> memref<1x16x512xf32, #tpu.memory_space<vmem>>
    %dma_wait3A_483 = tpu.memref_squeeze %dma_wait3A_482 : memref<1x16x512xf32, #tpu.memory_space<vmem>> -> memref<16x512xf32, #tpu.memory_space<vmem>>
    %dma_wait3A_484 = arith.constant 0 : i32
    %dma_wait3A_485 = arith.constant 0 : i32
    %dma_wait3A_486 = tpu.memref_slice %arg2[%dma_wait3A_484, %dma_wait3A_485] : memref<65536x1024xf32, #tpu.memory_space<hbm>> -> memref<16x512xf32, #tpu.memory_space<hbm>>
    %dma_wait3A_487 = arith.constant 0 : i32
    %dma_wait3A_488 = arith.constant 0 : i32
    %dma_wait3A_489 = tpu.memref_slice %arg11[%dma_wait3A_479, %dma_wait3A_487, %dma_wait3A_488] : memref<2x16x512xf32, #tpu.memory_space<vmem>> -> memref<1x16x512xf32, #tpu.memory_space<vmem>>
    %dma_wait3A_490 = tpu.memref_squeeze %dma_wait3A_489 : memref<1x16x512xf32, #tpu.memory_space<vmem>> -> memref<16x512xf32, #tpu.memory_space<vmem>>
    %dma_wait3A_491 = arith.constant 0 : i32
    %dma_wait3A_492 = arith.constant 0 : i32
    %dma_wait3A_493 = tpu.memref_slice %arg2[%dma_wait3A_491, %dma_wait3A_492] : memref<65536x1024xf32, #tpu.memory_space<hbm>> -> memref<16x512xf32, #tpu.memory_space<hbm>>
    tpu.wait_dma2 semaphore(%arg13 : memref<!tpu.dma_semaphore, #tpu.memory_space<semaphore_mem>>) src(%dma_wait3A_493 : memref<16x512xf32, #tpu.memory_space<hbm>>) dst(%dma_wait3A_490 : memref<16x512xf32, #tpu.memory_space<vmem>>)
    %dma_wait3A_494 = arith.constant 1 : i32
    %dma_wait3A_495 = arith.constant 0 : i32
    %dma_wait3A_496 = arith.constant 0 : i32
    %dma_wait3A_497 = tpu.memref_slice %arg11[%dma_wait3A_494, %dma_wait3A_495, %dma_wait3A_496] : memref<2x16x512xf32, #tpu.memory_space<vmem>> -> memref<1x16x512xf32, #tpu.memory_space<vmem>>
    %dma_wait3A_498 = tpu.memref_squeeze %dma_wait3A_497 : memref<1x16x512xf32, #tpu.memory_space<vmem>> -> memref<16x512xf32, #tpu.memory_space<vmem>>
    %dma_wait3A_499 = arith.constant 0 : i32
    %dma_wait3A_500 = arith.constant 0 : i32
    %dma_wait3A_501 = tpu.memref_slice %arg2[%dma_wait3A_499, %dma_wait3A_500] : memref<65536x1024xf32, #tpu.memory_space<hbm>> -> memref<16x512xf32, #tpu.memory_space<hbm>>
    %dma_wait3A_502 = arith.constant 0 : i32
    %dma_wait3A_503 = arith.constant 0 : i32
    %dma_wait3A_504 = tpu.memref_slice %arg11[%dma_wait3A_494, %dma_wait3A_502, %dma_wait3A_503] : memref<2x16x512xf32, #tpu.memory_space<vmem>> -> memref<1x16x512xf32, #tpu.memory_space<vmem>>
    %dma_wait3A_505 = tpu.memref_squeeze %dma_wait3A_504 : memref<1x16x512xf32, #tpu.memory_space<vmem>> -> memref<16x512xf32, #tpu.memory_space<vmem>>
    %dma_wait3A_506 = arith.constant 0 : i32
    %dma_wait3A_507 = arith.constant 0 : i32
    %dma_wait3A_508 = tpu.memref_slice %arg2[%dma_wait3A_506, %dma_wait3A_507] : memref<65536x1024xf32, #tpu.memory_space<hbm>> -> memref<16x512xf32, #tpu.memory_space<hbm>>
    tpu.wait_dma2 semaphore(%arg13 : memref<!tpu.dma_semaphore, #tpu.memory_space<semaphore_mem>>) src(%dma_wait3A_508 : memref<16x512xf32, #tpu.memory_space<hbm>>) dst(%dma_wait3A_505 : memref<16x512xf32, #tpu.memory_space<vmem>>)
    %dma_start3A_509 = tpu.memref_slice %arg6[%multiple_of3A, %multiple_of3A_294] : memref<1024x4096xf32, #tpu.memory_space<hbm>> -> memref<512x128xf32, #tpu.memory_space<hbm>>
    %dma_start3A_510 = tpu.memref_slice %arg6[%multiple_of3A, %multiple_of3A_294] : memref<1024x4096xf32, #tpu.memory_space<hbm>> -> memref<512x128xf32, #tpu.memory_space<hbm>>
    tpu.enqueue_dma source(%arg12 : memref<512x128xf32, #tpu.memory_space<vmem>>) target(%dma_start3A_510 : memref<512x128xf32, #tpu.memory_space<hbm>>) target_semaphore(%arg14 : memref<!tpu.dma_semaphore, #tpu.memory_space<semaphore_mem>>)
    %mul3A_511 = arith.constant 256 : i32
    %mul3A_512 = arith.muli %select_n3A, %mul3A_511 : i32
    %add3A_513 = arith.constant 128 : i32
    %add3A_514 = arith.addi %mul3A_512, %add3A_513 : i32
    %multiple_of3A_515 = tpu.assume_multiple %add3A_514, 128 : i32
    %dma_start3A_516 = arith.constant 0 : i32
    %dma_start3A_517 = arith.constant 0 : i32
    %dma_start3A_518 = arith.constant 0 : i32
    %dma_start3A_519 = tpu.memref_slice %arg11[%dma_start3A_516, %dma_start3A_517, %dma_start3A_518] : memref<2x16x512xf32, #tpu.memory_space<vmem>> -> memref<1x16x512xf32, #tpu.memory_space<vmem>>
    %dma_start3A_520 = tpu.memref_squeeze %dma_start3A_519 : memref<1x16x512xf32, #tpu.memory_space<vmem>> -> memref<16x512xf32, #tpu.memory_space<vmem>>
    %dma_start3A_521 = arith.constant 128 : i32
    %dma_start3A_522 = tpu.memref_slice %arg10[%dma_start3A_521] : memref<256xi32, #tpu.memory_space<vmem>> -> memref<16xi32, #tpu.memory_space<vmem>>
    %dma_start3A_523 = arith.constant 0 : i32
    %dma_start3A_524 = tpu.memref_slice %arg2[%dma_start3A_523, %multiple_of3A] : memref<65536x1024xf32, #tpu.memory_space<hbm>> -> memref<65536x512xf32, #tpu.memory_space<hbm>>
    %dma_start3A_525 = arith.constant 0 : i32
    %dma_start3A_526 = arith.constant 0 : i32
    %dma_start3A_527 = tpu.memref_slice %dma_start3A_524[%dma_start3A_525, %dma_start3A_526] : memref<65536x512xf32, #tpu.memory_space<hbm>> -> memref<65536x512xf32, #tpu.memory_space<hbm>>
    tpu.enqueue_indirect_dma source(%dma_start3A_527 : memref<65536x512xf32, #tpu.memory_space<hbm>>) target(%dma_start3A_520 : memref<16x512xf32, #tpu.memory_space<vmem>>) offsets(%dma_start3A_522 : memref<16xi32, #tpu.memory_space<vmem>>) semaphore(%arg13 : memref<!tpu.dma_semaphore, #tpu.memory_space<semaphore_mem>>)
    %dma_start3A_528 = arith.constant 1 : i32
    %dma_start3A_529 = arith.constant 0 : i32
    %dma_start3A_530 = arith.constant 0 : i32
    %dma_start3A_531 = tpu.memref_slice %arg11[%dma_start3A_528, %dma_start3A_529, %dma_start3A_530] : memref<2x16x512xf32, #tpu.memory_space<vmem>> -> memref<1x16x512xf32, #tpu.memory_space<vmem>>
    %dma_start3A_532 = tpu.memref_squeeze %dma_start3A_531 : memref<1x16x512xf32, #tpu.memory_space<vmem>> -> memref<16x512xf32, #tpu.memory_space<vmem>>
    %dma_start3A_533 = arith.constant 144 : i32
    %dma_start3A_534 = tpu.memref_slice %arg10[%dma_start3A_533] : memref<256xi32, #tpu.memory_space<vmem>> -> memref<16xi32, #tpu.memory_space<vmem>>
    %dma_start3A_535 = arith.constant 0 : i32
    %dma_start3A_536 = tpu.memref_slice %arg2[%dma_start3A_535, %multiple_of3A] : memref<65536x1024xf32, #tpu.memory_space<hbm>> -> memref<65536x512xf32, #tpu.memory_space<hbm>>
    %dma_start3A_537 = arith.constant 0 : i32
    %dma_start3A_538 = arith.constant 0 : i32
    %dma_start3A_539 = tpu.memref_slice %dma_start3A_536[%dma_start3A_537, %dma_start3A_538] : memref<65536x512xf32, #tpu.memory_space<hbm>> -> memref<65536x512xf32, #tpu.memory_space<hbm>>
    tpu.enqueue_indirect_dma source(%dma_start3A_539 : memref<65536x512xf32, #tpu.memory_space<hbm>>) target(%dma_start3A_532 : memref<16x512xf32, #tpu.memory_space<vmem>>) offsets(%dma_start3A_534 : memref<16xi32, #tpu.memory_space<vmem>>) semaphore(%arg13 : memref<!tpu.dma_semaphore, #tpu.memory_space<semaphore_mem>>)
    %dma_wait3A_540 = arith.constant 0 : i32
    %dma_wait3A_541 = arith.constant 0 : i32
    %dma_wait3A_542 = arith.constant 0 : i32
    %dma_wait3A_543 = tpu.memref_slice %arg11[%dma_wait3A_540, %dma_wait3A_541, %dma_wait3A_542] : memref<2x16x512xf32, #tpu.memory_space<vmem>> -> memref<1x16x512xf32, #tpu.memory_space<vmem>>
    %dma_wait3A_544 = tpu.memref_squeeze %dma_wait3A_543 : memref<1x16x512xf32, #tpu.memory_space<vmem>> -> memref<16x512xf32, #tpu.memory_space<vmem>>
    %dma_wait3A_545 = arith.constant 0 : i32
    %dma_wait3A_546 = arith.constant 0 : i32
    %dma_wait3A_547 = tpu.memref_slice %arg2[%dma_wait3A_545, %dma_wait3A_546] : memref<65536x1024xf32, #tpu.memory_space<hbm>> -> memref<16x512xf32, #tpu.memory_space<hbm>>
    %dma_wait3A_548 = arith.constant 0 : i32
    %dma_wait3A_549 = arith.constant 0 : i32
    %dma_wait3A_550 = tpu.memref_slice %arg11[%dma_wait3A_540, %dma_wait3A_548, %dma_wait3A_549] : memref<2x16x512xf32, #tpu.memory_space<vmem>> -> memref<1x16x512xf32, #tpu.memory_space<vmem>>
    %dma_wait3A_551 = tpu.memref_squeeze %dma_wait3A_550 : memref<1x16x512xf32, #tpu.memory_space<vmem>> -> memref<16x512xf32, #tpu.memory_space<vmem>>
    %dma_wait3A_552 = arith.constant 0 : i32
    %dma_wait3A_553 = arith.constant 0 : i32
    %dma_wait3A_554 = tpu.memref_slice %arg2[%dma_wait3A_552, %dma_wait3A_553] : memref<65536x1024xf32, #tpu.memory_space<hbm>> -> memref<16x512xf32, #tpu.memory_space<hbm>>
    tpu.wait_dma2 semaphore(%arg13 : memref<!tpu.dma_semaphore, #tpu.memory_space<semaphore_mem>>) src(%dma_wait3A_554 : memref<16x512xf32, #tpu.memory_space<hbm>>) dst(%dma_wait3A_551 : memref<16x512xf32, #tpu.memory_space<vmem>>)
    %dma_wait3A_555 = arith.constant 0 : i32
    %dma_wait3A_556 = arith.constant 0 : i32
    %dma_wait3A_557 = tpu.memref_slice %arg6[%dma_wait3A_555, %dma_wait3A_556] : memref<1024x4096xf32, #tpu.memory_space<hbm>> -> memref<512x128xf32, #tpu.memory_space<hbm>>
    %dma_wait3A_558 = arith.constant 0 : i32
    %dma_wait3A_559 = arith.constant 0 : i32
    %dma_wait3A_560 = tpu.memref_slice %arg6[%dma_wait3A_558, %dma_wait3A_559] : memref<1024x4096xf32, #tpu.memory_space<hbm>> -> memref<512x128xf32, #tpu.memory_space<hbm>>
    tpu.wait_dma2 semaphore(%arg14 : memref<!tpu.dma_semaphore, #tpu.memory_space<semaphore_mem>>) src(%arg12 : memref<512x128xf32, #tpu.memory_space<vmem>>) dst(%dma_wait3A_560 : memref<512x128xf32, #tpu.memory_space<hbm>>)
    %dma_start3A_561 = arith.constant 0 : i32
    %dma_start3A_562 = arith.constant 0 : i32
    %dma_start3A_563 = arith.constant 0 : i32
    %dma_start3A_564 = tpu.memref_slice %arg11[%dma_start3A_561, %dma_start3A_562, %dma_start3A_563] : memref<2x16x512xf32, #tpu.memory_space<vmem>> -> memref<1x16x512xf32, #tpu.memory_space<vmem>>
    %dma_start3A_565 = tpu.memref_squeeze %dma_start3A_564 : memref<1x16x512xf32, #tpu.memory_space<vmem>> -> memref<16x512xf32, #tpu.memory_space<vmem>>
    %dma_start3A_566 = arith.constant 160 : i32
    %dma_start3A_567 = tpu.memref_slice %arg10[%dma_start3A_566] : memref<256xi32, #tpu.memory_space<vmem>> -> memref<16xi32, #tpu.memory_space<vmem>>
    %dma_start3A_568 = arith.constant 0 : i32
    %dma_start3A_569 = tpu.memref_slice %arg2[%dma_start3A_568, %multiple_of3A] : memref<65536x1024xf32, #tpu.memory_space<hbm>> -> memref<65536x512xf32, #tpu.memory_space<hbm>>
    %dma_start3A_570 = arith.constant 0 : i32
    %dma_start3A_571 = arith.constant 0 : i32
    %dma_start3A_572 = tpu.memref_slice %dma_start3A_569[%dma_start3A_570, %dma_start3A_571] : memref<65536x512xf32, #tpu.memory_space<hbm>> -> memref<65536x512xf32, #tpu.memory_space<hbm>>
    tpu.enqueue_indirect_dma source(%dma_start3A_572 : memref<65536x512xf32, #tpu.memory_space<hbm>>) target(%dma_start3A_565 : memref<16x512xf32, #tpu.memory_space<vmem>>) offsets(%dma_start3A_567 : memref<16xi32, #tpu.memory_space<vmem>>) semaphore(%arg13 : memref<!tpu.dma_semaphore, #tpu.memory_space<semaphore_mem>>)
    %dma_wait3A_573 = arith.constant 1 : i32
    %dma_wait3A_574 = arith.constant 0 : i32
    %dma_wait3A_575 = arith.constant 0 : i32
    %dma_wait3A_576 = tpu.memref_slice %arg11[%dma_wait3A_573, %dma_wait3A_574, %dma_wait3A_575] : memref<2x16x512xf32, #tpu.memory_space<vmem>> -> memref<1x16x512xf32, #tpu.memory_space<vmem>>
    %dma_wait3A_577 = tpu.memref_squeeze %dma_wait3A_576 : memref<1x16x512xf32, #tpu.memory_space<vmem>> -> memref<16x512xf32, #tpu.memory_space<vmem>>
    %dma_wait3A_578 = arith.constant 0 : i32
    %dma_wait3A_579 = arith.constant 0 : i32
    %dma_wait3A_580 = tpu.memref_slice %arg2[%dma_wait3A_578, %dma_wait3A_579] : memref<65536x1024xf32, #tpu.memory_space<hbm>> -> memref<16x512xf32, #tpu.memory_space<hbm>>
    %dma_wait3A_581 = arith.constant 0 : i32
    %dma_wait3A_582 = arith.constant 0 : i32
    %dma_wait3A_583 = tpu.memref_slice %arg11[%dma_wait3A_573, %dma_wait3A_581, %dma_wait3A_582] : memref<2x16x512xf32, #tpu.memory_space<vmem>> -> memref<1x16x512xf32, #tpu.memory_space<vmem>>
    %dma_wait3A_584 = tpu.memref_squeeze %dma_wait3A_583 : memref<1x16x512xf32, #tpu.memory_space<vmem>> -> memref<16x512xf32, #tpu.memory_space<vmem>>
    %dma_wait3A_585 = arith.constant 0 : i32
    %dma_wait3A_586 = arith.constant 0 : i32
    %dma_wait3A_587 = tpu.memref_slice %arg2[%dma_wait3A_585, %dma_wait3A_586] : memref<65536x1024xf32, #tpu.memory_space<hbm>> -> memref<16x512xf32, #tpu.memory_space<hbm>>
    tpu.wait_dma2 semaphore(%arg13 : memref<!tpu.dma_semaphore, #tpu.memory_space<semaphore_mem>>) src(%dma_wait3A_587 : memref<16x512xf32, #tpu.memory_space<hbm>>) dst(%dma_wait3A_584 : memref<16x512xf32, #tpu.memory_space<vmem>>)
    %dma_start3A_588 = arith.constant 1 : i32
    %dma_start3A_589 = arith.constant 0 : i32
    %dma_start3A_590 = arith.constant 0 : i32
    %dma_start3A_591 = tpu.memref_slice %arg11[%dma_start3A_588, %dma_start3A_589, %dma_start3A_590] : memref<2x16x512xf32, #tpu.memory_space<vmem>> -> memref<1x16x512xf32, #tpu.memory_space<vmem>>
    %dma_start3A_592 = tpu.memref_squeeze %dma_start3A_591 : memref<1x16x512xf32, #tpu.memory_space<vmem>> -> memref<16x512xf32, #tpu.memory_space<vmem>>
    %dma_start3A_593 = arith.constant 176 : i32
    %dma_start3A_594 = tpu.memref_slice %arg10[%dma_start3A_593] : memref<256xi32, #tpu.memory_space<vmem>> -> memref<16xi32, #tpu.memory_space<vmem>>
    %dma_start3A_595 = arith.constant 0 : i32
    %dma_start3A_596 = tpu.memref_slice %arg2[%dma_start3A_595, %multiple_of3A] : memref<65536x1024xf32, #tpu.memory_space<hbm>> -> memref<65536x512xf32, #tpu.memory_space<hbm>>
    %dma_start3A_597 = arith.constant 0 : i32
    %dma_start3A_598 = arith.constant 0 : i32
    %dma_start3A_599 = tpu.memref_slice %dma_start3A_596[%dma_start3A_597, %dma_start3A_598] : memref<65536x512xf32, #tpu.memory_space<hbm>> -> memref<65536x512xf32, #tpu.memory_space<hbm>>
    tpu.enqueue_indirect_dma source(%dma_start3A_599 : memref<65536x512xf32, #tpu.memory_space<hbm>>) target(%dma_start3A_592 : memref<16x512xf32, #tpu.memory_space<vmem>>) offsets(%dma_start3A_594 : memref<16xi32, #tpu.memory_space<vmem>>) semaphore(%arg13 : memref<!tpu.dma_semaphore, #tpu.memory_space<semaphore_mem>>)
    %dma_wait3A_600 = arith.constant 0 : i32
    %dma_wait3A_601 = arith.constant 0 : i32
    %dma_wait3A_602 = arith.constant 0 : i32
    %dma_wait3A_603 = tpu.memref_slice %arg11[%dma_wait3A_600, %dma_wait3A_601, %dma_wait3A_602] : memref<2x16x512xf32, #tpu.memory_space<vmem>> -> memref<1x16x512xf32, #tpu.memory_space<vmem>>
    %dma_wait3A_604 = tpu.memref_squeeze %dma_wait3A_603 : memref<1x16x512xf32, #tpu.memory_space<vmem>> -> memref<16x512xf32, #tpu.memory_space<vmem>>
    %dma_wait3A_605 = arith.constant 0 : i32
    %dma_wait3A_606 = arith.constant 0 : i32
    %dma_wait3A_607 = tpu.memref_slice %arg2[%dma_wait3A_605, %dma_wait3A_606] : memref<65536x1024xf32, #tpu.memory_space<hbm>> -> memref<16x512xf32, #tpu.memory_space<hbm>>
    %dma_wait3A_608 = arith.constant 0 : i32
    %dma_wait3A_609 = arith.constant 0 : i32
    %dma_wait3A_610 = tpu.memref_slice %arg11[%dma_wait3A_600, %dma_wait3A_608, %dma_wait3A_609] : memref<2x16x512xf32, #tpu.memory_space<vmem>> -> memref<1x16x512xf32, #tpu.memory_space<vmem>>
    %dma_wait3A_611 = tpu.memref_squeeze %dma_wait3A_610 : memref<1x16x512xf32, #tpu.memory_space<vmem>> -> memref<16x512xf32, #tpu.memory_space<vmem>>
    %dma_wait3A_612 = arith.constant 0 : i32
    %dma_wait3A_613 = arith.constant 0 : i32
    %dma_wait3A_614 = tpu.memref_slice %arg2[%dma_wait3A_612, %dma_wait3A_613] : memref<65536x1024xf32, #tpu.memory_space<hbm>> -> memref<16x512xf32, #tpu.memory_space<hbm>>
    tpu.wait_dma2 semaphore(%arg13 : memref<!tpu.dma_semaphore, #tpu.memory_space<semaphore_mem>>) src(%dma_wait3A_614 : memref<16x512xf32, #tpu.memory_space<hbm>>) dst(%dma_wait3A_611 : memref<16x512xf32, #tpu.memory_space<vmem>>)
    %dma_start3A_615 = arith.constant 0 : i32
    %dma_start3A_616 = arith.constant 0 : i32
    %dma_start3A_617 = arith.constant 0 : i32
    %dma_start3A_618 = tpu.memref_slice %arg11[%dma_start3A_615, %dma_start3A_616, %dma_start3A_617] : memref<2x16x512xf32, #tpu.memory_space<vmem>> -> memref<1x16x512xf32, #tpu.memory_space<vmem>>
    %dma_start3A_619 = tpu.memref_squeeze %dma_start3A_618 : memref<1x16x512xf32, #tpu.memory_space<vmem>> -> memref<16x512xf32, #tpu.memory_space<vmem>>
    %dma_start3A_620 = arith.constant 192 : i32
    %dma_start3A_621 = tpu.memref_slice %arg10[%dma_start3A_620] : memref<256xi32, #tpu.memory_space<vmem>> -> memref<16xi32, #tpu.memory_space<vmem>>
    %dma_start3A_622 = arith.constant 0 : i32
    %dma_start3A_623 = tpu.memref_slice %arg2[%dma_start3A_622, %multiple_of3A] : memref<65536x1024xf32, #tpu.memory_space<hbm>> -> memref<65536x512xf32, #tpu.memory_space<hbm>>
    %dma_start3A_624 = arith.constant 0 : i32
    %dma_start3A_625 = arith.constant 0 : i32
    %dma_start3A_626 = tpu.memref_slice %dma_start3A_623[%dma_start3A_624, %dma_start3A_625] : memref<65536x512xf32, #tpu.memory_space<hbm>> -> memref<65536x512xf32, #tpu.memory_space<hbm>>
    tpu.enqueue_indirect_dma source(%dma_start3A_626 : memref<65536x512xf32, #tpu.memory_space<hbm>>) target(%dma_start3A_619 : memref<16x512xf32, #tpu.memory_space<vmem>>) offsets(%dma_start3A_621 : memref<16xi32, #tpu.memory_space<vmem>>) semaphore(%arg13 : memref<!tpu.dma_semaphore, #tpu.memory_space<semaphore_mem>>)
    %dma_wait3A_627 = arith.constant 1 : i32
    %dma_wait3A_628 = arith.constant 0 : i32
    %dma_wait3A_629 = arith.constant 0 : i32
    %dma_wait3A_630 = tpu.memref_slice %arg11[%dma_wait3A_627, %dma_wait3A_628, %dma_wait3A_629] : memref<2x16x512xf32, #tpu.memory_space<vmem>> -> memref<1x16x512xf32, #tpu.memory_space<vmem>>
    %dma_wait3A_631 = tpu.memref_squeeze %dma_wait3A_630 : memref<1x16x512xf32, #tpu.memory_space<vmem>> -> memref<16x512xf32, #tpu.memory_space<vmem>>
    %dma_wait3A_632 = arith.constant 0 : i32
    %dma_wait3A_633 = arith.constant 0 : i32
    %dma_wait3A_634 = tpu.memref_slice %arg2[%dma_wait3A_632, %dma_wait3A_633] : memref<65536x1024xf32, #tpu.memory_space<hbm>> -> memref<16x512xf32, #tpu.memory_space<hbm>>
    %dma_wait3A_635 = arith.constant 0 : i32
    %dma_wait3A_636 = arith.constant 0 : i32
    %dma_wait3A_637 = tpu.memref_slice %arg11[%dma_wait3A_627, %dma_wait3A_635, %dma_wait3A_636] : memref<2x16x512xf32, #tpu.memory_space<vmem>> -> memref<1x16x512xf32, #tpu.memory_space<vmem>>
    %dma_wait3A_638 = tpu.memref_squeeze %dma_wait3A_637 : memref<1x16x512xf32, #tpu.memory_space<vmem>> -> memref<16x512xf32, #tpu.memory_space<vmem>>
    %dma_wait3A_639 = arith.constant 0 : i32
    %dma_wait3A_640 = arith.constant 0 : i32
    %dma_wait3A_641 = tpu.memref_slice %arg2[%dma_wait3A_639, %dma_wait3A_640] : memref<65536x1024xf32, #tpu.memory_space<hbm>> -> memref<16x512xf32, #tpu.memory_space<hbm>>
    tpu.wait_dma2 semaphore(%arg13 : memref<!tpu.dma_semaphore, #tpu.memory_space<semaphore_mem>>) src(%dma_wait3A_641 : memref<16x512xf32, #tpu.memory_space<hbm>>) dst(%dma_wait3A_638 : memref<16x512xf32, #tpu.memory_space<vmem>>)
    %dma_start3A_642 = arith.constant 1 : i32
    %dma_start3A_643 = arith.constant 0 : i32
    %dma_start3A_644 = arith.constant 0 : i32
    %dma_start3A_645 = tpu.memref_slice %arg11[%dma_start3A_642, %dma_start3A_643, %dma_start3A_644] : memref<2x16x512xf32, #tpu.memory_space<vmem>> -> memref<1x16x512xf32, #tpu.memory_space<vmem>>
    %dma_start3A_646 = tpu.memref_squeeze %dma_start3A_645 : memref<1x16x512xf32, #tpu.memory_space<vmem>> -> memref<16x512xf32, #tpu.memory_space<vmem>>
    %dma_start3A_647 = arith.constant 208 : i32
    %dma_start3A_648 = tpu.memref_slice %arg10[%dma_start3A_647] : memref<256xi32, #tpu.memory_space<vmem>> -> memref<16xi32, #tpu.memory_space<vmem>>
    %dma_start3A_649 = arith.constant 0 : i32
    %dma_start3A_650 = tpu.memref_slice %arg2[%dma_start3A_649, %multiple_of3A] : memref<65536x1024xf32, #tpu.memory_space<hbm>> -> memref<65536x512xf32, #tpu.memory_space<hbm>>
    %dma_start3A_651 = arith.constant 0 : i32
    %dma_start3A_652 = arith.constant 0 : i32
    %dma_start3A_653 = tpu.memref_slice %dma_start3A_650[%dma_start3A_651, %dma_start3A_652] : memref<65536x512xf32, #tpu.memory_space<hbm>> -> memref<65536x512xf32, #tpu.memory_space<hbm>>
    tpu.enqueue_indirect_dma source(%dma_start3A_653 : memref<65536x512xf32, #tpu.memory_space<hbm>>) target(%dma_start3A_646 : memref<16x512xf32, #tpu.memory_space<vmem>>) offsets(%dma_start3A_648 : memref<16xi32, #tpu.memory_space<vmem>>) semaphore(%arg13 : memref<!tpu.dma_semaphore, #tpu.memory_space<semaphore_mem>>)
    %dma_wait3A_654 = arith.constant 0 : i32
    %dma_wait3A_655 = arith.constant 0 : i32
    %dma_wait3A_656 = arith.constant 0 : i32
    %dma_wait3A_657 = tpu.memref_slice %arg11[%dma_wait3A_654, %dma_wait3A_655, %dma_wait3A_656] : memref<2x16x512xf32, #tpu.memory_space<vmem>> -> memref<1x16x512xf32, #tpu.memory_space<vmem>>
    %dma_wait3A_658 = tpu.memref_squeeze %dma_wait3A_657 : memref<1x16x512xf32, #tpu.memory_space<vmem>> -> memref<16x512xf32, #tpu.memory_space<vmem>>
    %dma_wait3A_659 = arith.constant 0 : i32
    %dma_wait3A_660 = arith.constant 0 : i32
    %dma_wait3A_661 = tpu.memref_slice %arg2[%dma_wait3A_659, %dma_wait3A_660] : memref<65536x1024xf32, #tpu.memory_space<hbm>> -> memref<16x512xf32, #tpu.memory_space<hbm>>
    %dma_wait3A_662 = arith.constant 0 : i32
    %dma_wait3A_663 = arith.constant 0 : i32
    %dma_wait3A_664 = tpu.memref_slice %arg11[%dma_wait3A_654, %dma_wait3A_662, %dma_wait3A_663] : memref<2x16x512xf32, #tpu.memory_space<vmem>> -> memref<1x16x512xf32, #tpu.memory_space<vmem>>
    %dma_wait3A_665 = tpu.memref_squeeze %dma_wait3A_664 : memref<1x16x512xf32, #tpu.memory_space<vmem>> -> memref<16x512xf32, #tpu.memory_space<vmem>>
    %dma_wait3A_666 = arith.constant 0 : i32
    %dma_wait3A_667 = arith.constant 0 : i32
    %dma_wait3A_668 = tpu.memref_slice %arg2[%dma_wait3A_666, %dma_wait3A_667] : memref<65536x1024xf32, #tpu.memory_space<hbm>> -> memref<16x512xf32, #tpu.memory_space<hbm>>
    tpu.wait_dma2 semaphore(%arg13 : memref<!tpu.dma_semaphore, #tpu.memory_space<semaphore_mem>>) src(%dma_wait3A_668 : memref<16x512xf32, #tpu.memory_space<hbm>>) dst(%dma_wait3A_665 : memref<16x512xf32, #tpu.memory_space<vmem>>)
    %dma_start3A_669 = arith.constant 0 : i32
    %dma_start3A_670 = arith.constant 0 : i32
    %dma_start3A_671 = arith.constant 0 : i32
    %dma_start3A_672 = tpu.memref_slice %arg11[%dma_start3A_669, %dma_start3A_670, %dma_start3A_671] : memref<2x16x512xf32, #tpu.memory_space<vmem>> -> memref<1x16x512xf32, #tpu.memory_space<vmem>>
    %dma_start3A_673 = tpu.memref_squeeze %dma_start3A_672 : memref<1x16x512xf32, #tpu.memory_space<vmem>> -> memref<16x512xf32, #tpu.memory_space<vmem>>
    %dma_start3A_674 = arith.constant 224 : i32
    %dma_start3A_675 = tpu.memref_slice %arg10[%dma_start3A_674] : memref<256xi32, #tpu.memory_space<vmem>> -> memref<16xi32, #tpu.memory_space<vmem>>
    %dma_start3A_676 = arith.constant 0 : i32
    %dma_start3A_677 = tpu.memref_slice %arg2[%dma_start3A_676, %multiple_of3A] : memref<65536x1024xf32, #tpu.memory_space<hbm>> -> memref<65536x512xf32, #tpu.memory_space<hbm>>
    %dma_start3A_678 = arith.constant 0 : i32
    %dma_start3A_679 = arith.constant 0 : i32
    %dma_start3A_680 = tpu.memref_slice %dma_start3A_677[%dma_start3A_678, %dma_start3A_679] : memref<65536x512xf32, #tpu.memory_space<hbm>> -> memref<65536x512xf32, #tpu.memory_space<hbm>>
    tpu.enqueue_indirect_dma source(%dma_start3A_680 : memref<65536x512xf32, #tpu.memory_space<hbm>>) target(%dma_start3A_673 : memref<16x512xf32, #tpu.memory_space<vmem>>) offsets(%dma_start3A_675 : memref<16xi32, #tpu.memory_space<vmem>>) semaphore(%arg13 : memref<!tpu.dma_semaphore, #tpu.memory_space<semaphore_mem>>)
    %dma_wait3A_681 = arith.constant 1 : i32
    %dma_wait3A_682 = arith.constant 0 : i32
    %dma_wait3A_683 = arith.constant 0 : i32
    %dma_wait3A_684 = tpu.memref_slice %arg11[%dma_wait3A_681, %dma_wait3A_682, %dma_wait3A_683] : memref<2x16x512xf32, #tpu.memory_space<vmem>> -> memref<1x16x512xf32, #tpu.memory_space<vmem>>
    %dma_wait3A_685 = tpu.memref_squeeze %dma_wait3A_684 : memref<1x16x512xf32, #tpu.memory_space<vmem>> -> memref<16x512xf32, #tpu.memory_space<vmem>>
    %dma_wait3A_686 = arith.constant 0 : i32
    %dma_wait3A_687 = arith.constant 0 : i32
    %dma_wait3A_688 = tpu.memref_slice %arg2[%dma_wait3A_686, %dma_wait3A_687] : memref<65536x1024xf32, #tpu.memory_space<hbm>> -> memref<16x512xf32, #tpu.memory_space<hbm>>
    %dma_wait3A_689 = arith.constant 0 : i32
    %dma_wait3A_690 = arith.constant 0 : i32
    %dma_wait3A_691 = tpu.memref_slice %arg11[%dma_wait3A_681, %dma_wait3A_689, %dma_wait3A_690] : memref<2x16x512xf32, #tpu.memory_space<vmem>> -> memref<1x16x512xf32, #tpu.memory_space<vmem>>
    %dma_wait3A_692 = tpu.memref_squeeze %dma_wait3A_691 : memref<1x16x512xf32, #tpu.memory_space<vmem>> -> memref<16x512xf32, #tpu.memory_space<vmem>>
    %dma_wait3A_693 = arith.constant 0 : i32
    %dma_wait3A_694 = arith.constant 0 : i32
    %dma_wait3A_695 = tpu.memref_slice %arg2[%dma_wait3A_693, %dma_wait3A_694] : memref<65536x1024xf32, #tpu.memory_space<hbm>> -> memref<16x512xf32, #tpu.memory_space<hbm>>
    tpu.wait_dma2 semaphore(%arg13 : memref<!tpu.dma_semaphore, #tpu.memory_space<semaphore_mem>>) src(%dma_wait3A_695 : memref<16x512xf32, #tpu.memory_space<hbm>>) dst(%dma_wait3A_692 : memref<16x512xf32, #tpu.memory_space<vmem>>)
    %dma_start3A_696 = arith.constant 1 : i32
    %dma_start3A_697 = arith.constant 0 : i32
    %dma_start3A_698 = arith.constant 0 : i32
    %dma_start3A_699 = tpu.memref_slice %arg11[%dma_start3A_696, %dma_start3A_697, %dma_start3A_698] : memref<2x16x512xf32, #tpu.memory_space<vmem>> -> memref<1x16x512xf32, #tpu.memory_space<vmem>>
    %dma_start3A_700 = tpu.memref_squeeze %dma_start3A_699 : memref<1x16x512xf32, #tpu.memory_space<vmem>> -> memref<16x512xf32, #tpu.memory_space<vmem>>
    %dma_start3A_701 = arith.constant 240 : i32
    %dma_start3A_702 = tpu.memref_slice %arg10[%dma_start3A_701] : memref<256xi32, #tpu.memory_space<vmem>> -> memref<16xi32, #tpu.memory_space<vmem>>
    %dma_start3A_703 = arith.constant 0 : i32
    %dma_start3A_704 = tpu.memref_slice %arg2[%dma_start3A_703, %multiple_of3A] : memref<65536x1024xf32, #tpu.memory_space<hbm>> -> memref<65536x512xf32, #tpu.memory_space<hbm>>
    %dma_start3A_705 = arith.constant 0 : i32
    %dma_start3A_706 = arith.constant 0 : i32
    %dma_start3A_707 = tpu.memref_slice %dma_start3A_704[%dma_start3A_705, %dma_start3A_706] : memref<65536x512xf32, #tpu.memory_space<hbm>> -> memref<65536x512xf32, #tpu.memory_space<hbm>>
    tpu.enqueue_indirect_dma source(%dma_start3A_707 : memref<65536x512xf32, #tpu.memory_space<hbm>>) target(%dma_start3A_700 : memref<16x512xf32, #tpu.memory_space<vmem>>) offsets(%dma_start3A_702 : memref<16xi32, #tpu.memory_space<vmem>>) semaphore(%arg13 : memref<!tpu.dma_semaphore, #tpu.memory_space<semaphore_mem>>)
    %dma_wait3A_708 = arith.constant 0 : i32
    %dma_wait3A_709 = arith.constant 0 : i32
    %dma_wait3A_710 = arith.constant 0 : i32
    %dma_wait3A_711 = tpu.memref_slice %arg11[%dma_wait3A_708, %dma_wait3A_709, %dma_wait3A_710] : memref<2x16x512xf32, #tpu.memory_space<vmem>> -> memref<1x16x512xf32, #tpu.memory_space<vmem>>
    %dma_wait3A_712 = tpu.memref_squeeze %dma_wait3A_711 : memref<1x16x512xf32, #tpu.memory_space<vmem>> -> memref<16x512xf32, #tpu.memory_space<vmem>>
    %dma_wait3A_713 = arith.constant 0 : i32
    %dma_wait3A_714 = arith.constant 0 : i32
    %dma_wait3A_715 = tpu.memref_slice %arg2[%dma_wait3A_713, %dma_wait3A_714] : memref<65536x1024xf32, #tpu.memory_space<hbm>> -> memref<16x512xf32, #tpu.memory_space<hbm>>
    %dma_wait3A_716 = arith.constant 0 : i32
    %dma_wait3A_717 = arith.constant 0 : i32
    %dma_wait3A_718 = tpu.memref_slice %arg11[%dma_wait3A_708, %dma_wait3A_716, %dma_wait3A_717] : memref<2x16x512xf32, #tpu.memory_space<vmem>> -> memref<1x16x512xf32, #tpu.memory_space<vmem>>
    %dma_wait3A_719 = tpu.memref_squeeze %dma_wait3A_718 : memref<1x16x512xf32, #tpu.memory_space<vmem>> -> memref<16x512xf32, #tpu.memory_space<vmem>>
    %dma_wait3A_720 = arith.constant 0 : i32
    %dma_wait3A_721 = arith.constant 0 : i32
    %dma_wait3A_722 = tpu.memref_slice %arg2[%dma_wait3A_720, %dma_wait3A_721] : memref<65536x1024xf32, #tpu.memory_space<hbm>> -> memref<16x512xf32, #tpu.memory_space<hbm>>
    tpu.wait_dma2 semaphore(%arg13 : memref<!tpu.dma_semaphore, #tpu.memory_space<semaphore_mem>>) src(%dma_wait3A_722 : memref<16x512xf32, #tpu.memory_space<hbm>>) dst(%dma_wait3A_719 : memref<16x512xf32, #tpu.memory_space<vmem>>)
    %dma_wait3A_723 = arith.constant 1 : i32
    %dma_wait3A_724 = arith.constant 0 : i32
    %dma_wait3A_725 = arith.constant 0 : i32
    %dma_wait3A_726 = tpu.memref_slice %arg11[%dma_wait3A_723, %dma_wait3A_724, %dma_wait3A_725] : memref<2x16x512xf32, #tpu.memory_space<vmem>> -> memref<1x16x512xf32, #tpu.memory_space<vmem>>
    %dma_wait3A_727 = tpu.memref_squeeze %dma_wait3A_726 : memref<1x16x512xf32, #tpu.memory_space<vmem>> -> memref<16x512xf32, #tpu.memory_space<vmem>>
    %dma_wait3A_728 = arith.constant 0 : i32
    %dma_wait3A_729 = arith.constant 0 : i32
    %dma_wait3A_730 = tpu.memref_slice %arg2[%dma_wait3A_728, %dma_wait3A_729] : memref<65536x1024xf32, #tpu.memory_space<hbm>> -> memref<16x512xf32, #tpu.memory_space<hbm>>
    %dma_wait3A_731 = arith.constant 0 : i32
    %dma_wait3A_732 = arith.constant 0 : i32
    %dma_wait3A_733 = tpu.memref_slice %arg11[%dma_wait3A_723, %dma_wait3A_731, %dma_wait3A_732] : memref<2x16x512xf32, #tpu.memory_space<vmem>> -> memref<1x16x512xf32, #tpu.memory_space<vmem>>
    %dma_wait3A_734 = tpu.memref_squeeze %dma_wait3A_733 : memref<1x16x512xf32, #tpu.memory_space<vmem>> -> memref<16x512xf32, #tpu.memory_space<vmem>>
    %dma_wait3A_735 = arith.constant 0 : i32
    %dma_wait3A_736 = arith.constant 0 : i32
    %dma_wait3A_737 = tpu.memref_slice %arg2[%dma_wait3A_735, %dma_wait3A_736] : memref<65536x1024xf32, #tpu.memory_space<hbm>> -> memref<16x512xf32, #tpu.memory_space<hbm>>
    tpu.wait_dma2 semaphore(%arg13 : memref<!tpu.dma_semaphore, #tpu.memory_space<semaphore_mem>>) src(%dma_wait3A_737 : memref<16x512xf32, #tpu.memory_space<hbm>>) dst(%dma_wait3A_734 : memref<16x512xf32, #tpu.memory_space<vmem>>)
    %dma_start3A_738 = tpu.memref_slice %arg6[%multiple_of3A, %multiple_of3A_515] : memref<1024x4096xf32, #tpu.memory_space<hbm>> -> memref<512x128xf32, #tpu.memory_space<hbm>>
    %dma_start3A_739 = tpu.memref_slice %arg6[%multiple_of3A, %multiple_of3A_515] : memref<1024x4096xf32, #tpu.memory_space<hbm>> -> memref<512x128xf32, #tpu.memory_space<hbm>>
    tpu.enqueue_dma source(%arg12 : memref<512x128xf32, #tpu.memory_space<vmem>>) target(%dma_start3A_739 : memref<512x128xf32, #tpu.memory_space<hbm>>) target_semaphore(%arg14 : memref<!tpu.dma_semaphore, #tpu.memory_space<semaphore_mem>>)
    %dma_wait3A_740 = arith.constant 0 : i32
    %dma_wait3A_741 = arith.constant 0 : i32
    %dma_wait3A_742 = tpu.memref_slice %arg6[%dma_wait3A_740, %dma_wait3A_741] : memref<1024x4096xf32, #tpu.memory_space<hbm>> -> memref<512x128xf32, #tpu.memory_space<hbm>>
    %dma_wait3A_743 = arith.constant 0 : i32
    %dma_wait3A_744 = arith.constant 0 : i32
    %dma_wait3A_745 = tpu.memref_slice %arg6[%dma_wait3A_743, %dma_wait3A_744] : memref<1024x4096xf32, #tpu.memory_space<hbm>> -> memref<512x128xf32, #tpu.memory_space<hbm>>
    tpu.wait_dma2 semaphore(%arg14 : memref<!tpu.dma_semaphore, #tpu.memory_space<semaphore_mem>>) src(%arg12 : memref<512x128xf32, #tpu.memory_space<vmem>>) dst(%dma_wait3A_745 : memref<512x128xf32, #tpu.memory_space<hbm>>)
    return
  }
}

</mosaic_0001>

<sc_bundles>
// kernel: kernel.3.cloned.1.call-start
scs
__scs_entry_jumppad:
0x0: {  	(pc) =	sbr.rel $0x88, $3  }
0x1: {  	(tag) =	ssettag $0x0;
	lr =	simm.s32 $0x1  }
0x2: {  	[smem:$0x3F9D] =	sst lr;
	_ =	strace $0xD0000000  }
0x3: {  	_ = 	snop  }
0x4: {  	_ = 	snop  }
0x5: {  	_ = 	snop  }
0x6: {  	_ = 	snop  }
0x7: {  	_ = 	snop  }
__scs_overlays_trampoline_lowered:
0x8: {  	[smem:$0x3FAC] =	sst s0  }
0x9: {  	[smem:$0x3FAD] =	sst s1  }
0xa: {  	[smem:$0x3FAE] =	sst s2  }
0xb: {  	[smem:$0x3FAF] =	sst s3  }
0xc: {  	[smem:$0x3FB0] =	sst s4  }
0xd: {  	[smem:$0x3FB1] =	sst s5  }
0xe: {  	[smem:$0x3FB2] =	sst s6  }
0xf: {  	[smem:$0x3FB3] =	sst s7  }
0x10: {  	[smem:$0x3FB4] =	sst s8  }
0x11: {  	[smem:$0x3FB5] =	sst s9;
	s0 =	simm.s32 @!p0 $0x0  }
0x12: {  	s1 =	sld [smem:$0x3F9B];
	s0 =	simm.s32 @p0 $0x1  }
0x13: {  	[smem:$0x3FB6] =	sst s0;
	s0 =	simm.s32 @!p1 $0x0  }
0x14: {  	s2 =	sld [smem:$0x3F9A];
	s0 =	simm.s32 @p1 $0x1  }
0x15: {  	[smem:$0x3FB7] =	sst s0;
	s0 =	simm.s32 @!p2 $0x0  }
0x16: {  	s3 =	sld [smem:$0x3FDB];
	s0 =	simm.s32 @p2 $0x1  }
0x17: {  	s4 =	simm.s32 $0x1BF5;
	[smem:$0x3FB9] =	sst s0  }
0x18: {  	s0 =	sld [smem:$0x3F9C];
	_ =	swait.ge [sflag:s4], $0x0  }
0x19: {  	s7 =	sld [smem:$0x3F9D]  }
0x1a: {  	s8 =	sadd.s32 $0xFFFFE003, lr  }
0x1b: {  	s9 =	sadd.s32 $0xFFFFFEF7, lr;
	s5 =	simm.s32 $0xFFFFFFFF;
	p2 =	slt.u32 s8, $0xFFFFF086  }
0x1c: {  	p1 =	slt.u32 s9, $0xF7A;
	s5 =	simm.s32 @!p2 $0x0  }
0x1d: {  	s5 =	simm.s32 @p1 $0x1;
	p0 =	seq.s32 s7, s2  }
0x1e: {  	s7 =	smul.u32 @!p0 $0xF7A, s2;
	p2 =	seq.s32 @!p0 s5, $0x0  }
0x1f: {  	s9 =	smul.u32 $0xF7A, s1;
	s8 =	simm.s32 @!p0 $0x1BF5;
	p2 =	por !p2, p0  }
0x20: {  	[sflag:s8] =	ssyncset.s32 @!p0 $0xFFFFF086;
	s6 =	sadd.s32 @!p0 s3, s7;
	s7 =	simm.s32 @!p0 $0x108  }
0x21: {  	s3 =	sadd.s32 s3, s9;
	s6 =	sadd.s32 @!p0 $0x88, s6;
	s7 =	simm.s32 @p2 $0x1082  }
0x22: {  	[simem:s7], [sflag:s8] =	dma.local @!p0 [hbm:s6], $0xF7A  }
0x23: {  	s9 =	sor.u32 $0xD0000000, s2;
	s6 =	simm.s32 $0x108;
	_ =	swait.ge @!p0 [sflag:s8], $0x0  }
0x24: {  	s3 =	sadd.s32 $0x88, s3;
	s6 =	simm.s32 @!p1 $0x1082;
	[sflag:s4] =	ssyncset.s32 $0xFFFFF086  }
0x25: {  	[simem:s6], [sflag:s4] =	dma.local [hbm:s3], $0xF7A  }
0x26: {  	[smem:$0x3F9D] =	sst s1;
	(tag) =	ssettag s2;
	_ =	strace s9  }
0x27: {  	s1 =	sld [smem:$0x3FAD]  }
0x28: {  	s2 =	sld [smem:$0x3FAE]  }
0x29: {  	s4 =	sld [smem:$0x3FB0]  }
0x2a: {  	p0 =	seq.s32 s5, $0x0;
	s5 =	sld [smem:$0x3FB1]  }
0x2b: {  	s6 =	sld [smem:$0x3FB2]  }
0x2c: {  	s7 =	sld [smem:$0x3FB3]  }
0x2d: {  	s3 =	simm.s32 $0x108;
	s8 =	sld [smem:$0x3FB4]  }
0x2e: {  	s3 =	simm.s32 @!p0 $0x1082;
	s9 =	sld [smem:$0x3FB5]  }
0x2f: {  	lr =	sadd.s32 s0, s3;
	s0 =	sld [smem:$0x3FAC]  }
0x30: {  	s3 =	sld [smem:$0x3FAF]  }
0x31: {  	[smem:$0x3FB8] =	sst s10  }
0x32: {  	s10 =	sld [smem:$0x3FB6];
	_ =	sdelay $0x3  }
0x33: {  	p0 =	seq.s32 s10, $0x1;
	s10 =	sld [smem:$0x3FB8];
	_ =	sdelay $0x3  }
0x34: {  	[smem:$0x3FB8] =	sst s10  }
0x35: {  	s10 =	sld [smem:$0x3FB7];
	_ =	sdelay $0x3  }
0x36: {  	p1 =	seq.s32 s10, $0x1;
	s10 =	sld [smem:$0x3FB8];
	_ =	sdelay $0x3  }
0x37: {  	[smem:$0x3FB8] =	sst s10  }
0x38: {  	s10 =	sld [smem:$0x3FB9]  }
0x39: {  	_ = 	snop;
	(pc) =	sbr.ind lr, $3  }
0x3a: {  	_ = 	snop  }
0x3b: {  	_ = 	snop  }
0x3c: {  	p2 =	seq.s32 s10, $0x1;
	s10 =	sld [smem:$0x3FB8]  }
0x3d: {  	_ =	shalt  }
0x3e: {  	_ =	shalt  }
0x3f: {  	_ =	shalt  }
0x40: {  	_ =	shalt  }
0x41: {  	_ =	shalt  }
0x42: {  	_ =	shalt  }
0x43: {  	_ =	shalt  }
0x44: {  	_ =	shalt  }
0x45: {  	_ =	shalt  }
0x46: {  	_ =	shalt  }
0x47: {  	_ =	shalt  }
0x48: {  	_ =	shalt  }
0x49: {  	_ =	shalt  }
0x4a: {  	_ =	shalt  }
0x4b: {  	_ =	shalt  }
0x4c: {  	_ =	shalt  }
0x4d: {  	_ =	shalt  }
0x4e: {  	_ =	shalt  }
0x4f: {  	_ =	shalt  }
0x50: {  	_ =	shalt  }
0x51: {  	_ =	shalt  }
0x52: {  	_ =	shalt  }
0x53: {  	_ =	shalt  }
0x54: {  	_ =	shalt  }
0x55: {  	_ =	shalt  }
0x56: {  	_ =	shalt  }
0x57: {  	_ =	shalt  }
0x58: {  	_ =	shalt  }
0x59: {  	_ =	shalt  }
0x5a: {  	_ =	shalt  }
0x5b: {  	_ =	shalt  }
0x5c: {  	_ =	shalt  }
0x5d: {  	_ =	shalt  }
0x5e: {  	_ =	shalt  }
0x5f: {  	_ =	shalt  }
0x60: {  	_ =	shalt  }
0x61: {  	_ =	shalt  }
0x62: {  	_ =	shalt  }
0x63: {  	_ =	shalt  }
0x64: {  	_ =	shalt  }
0x65: {  	_ =	shalt  }
0x66: {  	_ =	shalt  }
0x67: {  	_ =	shalt  }
0x68: {  	_ =	shalt  }
0x69: {  	_ =	shalt  }
0x6a: {  	_ =	shalt  }
0x6b: {  	_ =	shalt  }
0x6c: {  	_ =	shalt  }
0x6d: {  	_ =	shalt  }
0x6e: {  	_ =	shalt  }
0x6f: {  	_ =	shalt  }
0x70: {  	_ =	shalt  }
0x71: {  	_ =	shalt  }
0x72: {  	_ =	shalt  }
0x73: {  	_ =	shalt  }
0x74: {  	_ =	shalt  }
0x75: {  	_ =	shalt  }
0x76: {  	_ =	shalt  }
0x77: {  	_ =	shalt  }
0x78: {  	_ =	shalt  }
0x79: {  	_ =	shalt  }
0x7a: {  	_ =	shalt  }
0x7b: {  	_ =	shalt  }
0x7c: {  	_ =	shalt  }
0x7d: {  	_ =	shalt  }
0x7e: {  	_ =	shalt  }
0x7f: {  	_ =	shalt  }
0x80: {  	_ =	shalt  }
0x81: {  	_ =	shalt  }
0x82: {  	_ =	shalt  }
0x83: {  	_ =	shalt  }
0x84: {  	_ =	shalt  }
0x85: {  	_ =	shalt  }
0x86: {  	_ =	shalt  }
0x87: {  	_ =	shalt  }
.Lfunc_end0:
.L_simem_size_0:
called_computation_lowered:
.L_overlay_start_0:
0x88: {  	s2 =	sld [smem:$0x3FD9]  }
0x89: {  	s3 =	sld [smem:$0x3FFE];
	_ =	sdelay $0x1  }
0x8a: {  	s1 =	srdreg.scid  }
0x8b: {  	s0 =	sand.u32 $0x1, s1  }
0x8c: {  	s18 =	sshll.u32 s0, $0xA;
	s2 =	sadd.s32 s3, s2  }
0x8d: {  	s2 =	sadd.s32 s2, s18  }
0x8e: {  	[smem:$0x3FC4] =	sst s2  }
0x8f: {  	_ = 	snop  }
0x90: {  	s2 =	sld [smem:$0x3FC9]  }
0x91: {  	s19 =	sld [smem:$0x3FC8]  }
0x92: {  	s4 =	sld [smem:$0x3FC7]  }
0x93: {  	s5 =	sld [smem:$0x3FC6]  }
0x94: {  	s6 =	sld [smem:$0x3FD0];
	(tm) =	ssettm $0x1  }
0x95: {  	s7 =	sld [smem:$0x3FFB];
	_ =	sdelay $0x3  }
0x96: {  	_ =	strace s7  }
0x97: {  	s7 =	sld [smem:$0x3FFC];
	_ =	sdelay $0x3  }
0x98: {  	_ =	strace s7  }
0x99: {  	s7 =	sld [smem:$0x3FFD];
	_ =	sdelay $0x3  }
0x9a: {  	_ =	strace s7  }
0x9b: {  	_ =	strace $0x8FFFFFFF  }
0x9c: {  	s20 =	sld [smem:$0x3FDB];
	_ =	sdelay $0x1  }
0x9d: {  	s8 =	simm.s32 $_scs_section_size  }
0x9e: {  	s9 =	simm.s32 $_size__tile_overlayer_lowered;
	s10 =	simm.s32 $_tile_overlayer_lowered  }
0x9f: {  	s23 =	simm.s32 $0x1BFF;
	s22 =	sshll.u32 s10, $0x1;
	s7 =	sadd.s32 s8, s20  }
0xa0: {  	s11 =	simm.s32 $0x0;
	s21 =	sshll.u32 s9, $0x1;
	s9 =	sadd.s32 s22, s7  }
0xa1: {  	[timem:s11], [sflag:s23] =	dma.local [hbm:s9], s21  }
0xa2: {  	_ =	swait.ge [sflag:s23], s21  }
0xa3: {  	s8 =	ssub.s32 $0x0, s21;
	[sflag:s23] =	ssyncset.done $0x0  }
0xa4: {  	[sflag:s23] =	ssyncadd.s32 s8;
	_ =	sdelay $0x1  }
0xa5: {  	s24 =	simm.s32 $0x1B8B  }
0xa6: {  	_ =	swait.ge [sflag:s24], $0x1  }
0xa7: {  	[sflag:s24] =	ssyncset.done $0x0  }
0xa8: {  	s25 =	simm.s32 $0x1B8E;
	[sflag:s24] =	ssyncadd.s32 $0xFFFFFFFF  }
0xa9: {  	s26 =	simm.s32 $execute0_lowered;
	[smem:$0x3FD2] =	sst s25  }
0xaa: {  	s8 =	sshll.u32 s26, $0x1;
	_ =	strace $0x80000046;
	[dreg:$0x1] =	wrdreg $0xFFFFFFFF  }
0xab: {  	s28 =	simm.s32 $_size_execute0_lowered;
	s7 =	sadd.s32 s7, s8;
	[dreg:$0x0] =	wrdreg $0x0  }
0xac: {  	s8 =	sshll.u32 s28, $0x1;
	[dreg:$0x2] =	wrdreg s7  }
0xad: {  	[dreg:$0x3] =	wrdreg s8  }
0xae: {  	[dreg:$0x4] =	wrdreg $0xC0  }
0xaf: {  	_ =	task [dreg:s11], $0x5FFFF  }
0xb0: {  	[dreg:$0x1] =	wrdreg $0xFFFFFFFF  }
0xb1: {  	[dreg:$0x0] =	wrdreg $0x60  }
0xb2: {  	[dreg:$0x2] =	wrdreg s2  }
0xb3: {  	[dreg:$0x3] =	wrdreg s19  }
0xb4: {  	[dreg:$0x4] =	wrdreg s4  }
0xb5: {  	[dreg:$0x5] =	wrdreg s5  }
0xb6: {  	[dreg:$0x6] =	wrdreg s6  }
0xb7: {  	[dreg:$0x7] =	wrdreg $0x9  }
0xb8: {  	_ =	task.clear_ibuf [dreg:s11], $0x8FFFF;
	_ =	strace $0x90000046  }
0xb9: {  	s29 =	simm.s32 $0x9;
	_ =	strace $0x80000048  }
0xba: {  	_ =	swait.ge [sflag:s29], $0x1  }
0xbb: {  	[sflag:s29] =	ssyncadd.s32 $0xFFFFFFFF  }
0xbc: {  	_ =	strace $0x90000048  }
0xbd: {  	_ =	sfence  }
0xbe: {  	s30 =	sld [smem:$0x0];
	_ =	sdelay $0x2  }
0xbf: {  	s31 =	sshll.u32 s1, $0xD;
	s1 =	sshrl.u32 s1, $0x2  }
0xc0: {  	s3 =	sand.u32 $0x4000, s31;
	s1 =	sadd.s32 s1, s30  }
0xc1: {  	s0 =	sor.u32 s3, s0;
	s1 =	sshll.u32 s1, $0x11  }
0xc2: {  	s0 =	sor.u32 s1, s0  }
0xc3: {  	s0 =	sadd.s32 $0x8F2B, s0  }
0xc4: {  	[sflag:s0] =	ssyncadd.remote.s32 $0x1  }
0xc5: {  	_ =	sfence.sel $0xFFFF  }
0xc6: {  	[dreg:$0x0] =	wrdreg $0xFFFFFFFF;
	(pc) =	sbr.abs _section_cstart, $3  }
0xc7: {  	[dreg:$0x1] =	wrdreg $0xFFFFFFFF  }
0xc8: {  	_ =	task.clear_ibuf [dreg:s11], $0x2FFFF;
	_ =	strace $0x9FFFFFFF  }
0xc9: {  	(tm) =	ssettm $0x7FFFFFFF  }
tec
execute0_lowered:
.L_overlay_start_1:
0x0: {  	(tag) =	ssettag $0x1  }
0x1: {  	s7 =	rddreg [dreg:$0x0]  }
0x2: {  	s4 =	rddreg [dreg:$0x1]  }
0x3: {  	s5 =	rddreg [dreg:$0x2]  }
0x4: {  	s1 =	srdreg.scid;
	s8 =	rddreg [dreg:$0x3]  }
0x5: {  	s0 =	stileid.u32;
	s9 =	rddreg [dreg:$0x4]  }
0x6: {  	s2 =	simm.s32 $0x0;
	s3 =	simm.s32 $0x1;
	s16 =	simm.s32 $0xC00  }
0x7: {  	s17 =	simm.s32 $0x1400;
	s18 =	simm.s32 $0x1C00;
	s19 =	simm.s32 $0x2400  }
0x8: {  	s20 =	simm.s32 $0x2C00;
	s21 =	simm.s32 $0x3400;
	s22 =	simm.s32 $0x3C00  }
0x9: {  	s23 =	simm.s32 $0x8000;
	s24 =	simm.s32 $0x4400;
	s6 =	sand.u32 $0x1, s1  }
0xa: {  	s25 =	simm.s32 $0x2;
	[smem:$0x7FF] =	sst s2;
	s1 =	sor.u32 s6, s0  }
0xb: {  	p1 =	seq.s32 s6, $0x1;
	s10 =	ssub.s32 $0x2, s6;
	p0 =	seq.s32 s1, $0x0  }
0xc: {  	s13 =	sshll.u32 s6, $0x15;
	s14 =	sshll.u32 s6, $0x9;
	p0 =	por !p0, !p1  }
0xd: {  	s1 =	rddreg [dreg:$0x5];
	_ =	strace $0x80000047;
	p0 =	por !p0, !p0  }
0xe: {  	s11 =	sshrl.u32 s10, $0x1;
	s7 =	sadd.s32 s7, s14;
	s3 =	simm.s32 @!p0 $0x0  }
0xf: {  	s14 =	simm.s32 $0x400;
	s10 =	ssub.s32 s10, s11;
	s12 =	ssub.s32 s0, s3  }
0x10: {  	s15 =	sadd.s32 $0x100, s7;
	s10 =	smax.u32 s10, $0x1;
	s28 =	sshll.u32 s12, $0x5  }
0x11: {  	s3 =	simm.s32 $0x1;
	s12 =	sshll.u32 s12, $0xB;
	s11 =	sand.u32 $0x1FFFFFE0, s28  }
0x12: {  	s12 =	sadd.s32 s13, s12;
	s13 =	simm.s32 $0x200;
	s4 =	sadd.s32 s4, s11  }
0x13: {  	v2 =	vlaneseq.u32;
	s5 =	sadd.s32 s5, s11;
	s6 =	sadd.s32 s8, s11;
	s29 =	sor.u32 $0x400, s12  }
0x14: {  	vm0 =	vmmov $0xffff;
	v1 =	vshrl.u32 v2, $0x3;
	s30 =	sshrl.u32 s12, $0x3;
	s11 =	simm.s32 $0x3;
	s31 =	sshrl.u32 s29, $0x3  }
0x15: {  	v0 =	vand.u32 $0x7, v2;
	v2 =	vor.u32 $0x8, v2;
	v1 =	vmul.u32 $0x8, v1;
	s12 =	simm.s32 $0x100;
	s8 =	sadd.s32 s9, s30;
	s9 =	sadd.s32 s9, s31  }
.LBB2_1:
0x16: {  	[tilespmem:s2], [sflag:$0x3] =	stream.linear.gather [hbm4b:s4+s2], $0x100, $0x38;
	[tilespmem:$0x14400] =	vst v63  }
0x17: {  	_ =	swait.ge [sflag:s11], $0x100  }
0x18: {  	[sflag:s11] =	ssyncset.done $0x0  }
0x19: {  	[sflag:s11] =	ssyncadd.s32 $0xFFFFFF00  }
0x1a: {  	[tilespmem:s12], [sflag:$0x3] =	stream.linear.gather [hbm4b:s5+s2], $0x100, $0x38;
	[tilespmem:$0x14400] =	vst v63  }
0x1b: {  	_ =	swait.ge [sflag:s11], $0x100  }
0x1c: {  	[sflag:s11] =	ssyncset.done $0x0  }
0x1d: {  	[sflag:s11] =	ssyncadd.s32 $0xFFFFFF00  }
0x1e: {  	[tilespmem:s13], [sflag:$0x3] =	stream.linear.gather [hbm4b:s6+s2], $0x100, $0x38;
	[tilespmem:$0x14400] =	vst v63  }
0x1f: {  	_ =	swait.ge [sflag:s11], $0x100  }
0x20: {  	[sflag:s11] =	ssyncset.done $0x0  }
0x21: {  	[sflag:s11] =	ssyncadd.s32 $0xFFFFFF00  }
0x22: {  	v3 =	vld [tilespmem:$0x0]  }
0x23: {  	v4 =	vld [tilespmem:$0x100]  }
0x24: {  	v5 =	vld [tilespmem:$0x200]  }
0x25: {  	v6 =	vld [tilespmem:$0x10]  }
0x26: {  	v7 =	vld [tilespmem:$0x110]  }
0x27: {  	v8 =	vld [tilespmem:$0x210]  }
0x28: {  	v9 =	vld [tilespmem:$0x20]  }
0x29: {  	v10 =	vld [tilespmem:$0x120]  }
0x2a: {  	v11 =	vld [tilespmem:$0x220]  }
0x2b: {  	v12 =	vld [tilespmem:$0x30]  }
0x2c: {  	v13 =	vld [tilespmem:$0x130]  }
0x2d: {  	v14 =	vld [tilespmem:$0x230]  }
0x2e: {  	v15 =	vld [tilespmem:$0x40]  }
0x2f: {  	v16 =	vld [tilespmem:$0x140]  }
0x30: {  	v17 =	vld [tilespmem:$0x240]  }
0x31: {  	v18 =	vld [tilespmem:$0x50]  }
0x32: {  	v19 =	vld [tilespmem:$0x150]  }
0x33: {  	v20 =	vld [tilespmem:$0x250]  }
0x34: {  	v21 =	vld [tilespmem:$0x60]  }
0x35: {  	v22 =	vld [tilespmem:$0x160]  }
0x36: {  	v23 =	vld [tilespmem:$0x260]  }
0x37: {  	v24 =	vld [tilespmem:$0x70]  }
0x38: {  	v25 =	vld [tilespmem:$0x170]  }
0x39: {  	v26 =	vld [tilespmem:$0x270]  }
0x3a: {  	v27 =	vld [tilespmem:$0x80]  }
0x3b: {  	v28 =	vld [tilespmem:$0x180]  }
0x3c: {  	v29 =	vld [tilespmem:$0x280]  }
0x3d: {  	v30 =	vld [tilespmem:$0x90]  }
0x3e: {  	v33 =	vld [tilespmem:$0xA0];
	v3 =	vshll.u32 v3, $0xA  }
0x3f: {  	v42 =	vld [tilespmem:$0xB0];
	v4 =	vshll.u32 v4, $0x5;
	v6 =	vshll.u32 v6, $0xA;
	v7 =	vshll.u32 v7, $0x5  }
0x40: {  	v45 =	vld [tilespmem:$0x1B0];
	v62 =	vshll.u32 v9, $0xA;
	v63 =	vshll.u32 v10, $0x5;
	v37 =	vshll.u32 v12, $0xA  }
0x41: {  	v49 =	vld [tilespmem:$0xC0];
	v38 =	vshll.u32 v13, $0x5;
	v40 =	vshll.u32 v15, $0xA;
	v41 =	vshll.u32 v16, $0x5  }
0x42: {  	v31 =	vld [tilespmem:$0x190];
	v43 =	vshll.u32 v18, $0xA;
	v44 =	vshll.u32 v19, $0x5;
	v47 =	vshll.u32 v21, $0xA  }
0x43: {  	v32 =	vld [tilespmem:$0x290];
	v48 =	vshll.u32 v22, $0x5;
	v50 =	vshll.u32 v24, $0xA;
	v51 =	vshll.u32 v25, $0x5  }
0x44: {  	v36 =	vld [tilespmem:$0x1A0];
	v54 =	vshll.u32 v27, $0xA;
	v55 =	vshll.u32 v28, $0x5;
	v61 =	vshll.u32 v30, $0xA  }
0x45: {  	v39 =	vld [tilespmem:$0x2A0];
	v10 =	vshll.u32 v33, $0xA;
	v27 =	vshll.u32 v42, $0xA;
	v28 =	vshll.u32 v45, $0x5  }
0x46: {  	v46 =	vld [tilespmem:$0x2B0];
	v30 =	vshll.u32 v49, $0xA;
	v6 =	vadd.s32 v6, v7;
	v3 =	vadd.s32 v3, v4  }
0x47: {  	v52 =	vld [tilespmem:$0x1C0];
	v35 =	vadd.s32 v62, v63;
	v9 =	vadd.s32 v40, v41;
	v34 =	vadd.s32 v8, v6  }
0x48: {  	v56 =	vld [tilespmem:$0x2C0];
	v12 =	vadd.s32 v43, v44;
	v15 =	vadd.s32 v47, v48;
	v6 =	vadd.s32 v11, v35;
	[tilespmem:$0x310] =	vst v34  }
0x49: {  	v59 =	vld [tilespmem:$0xD0];
	v53 =	vadd.s32 v50, v51;
	v58 =	vadd.s32 v54, v55;
	v9 =	vadd.s32 v17, v9;
	[tilespmem:$0x320] =	vst v6  }
0x4a: {  	v24 =	vld [tilespmem:$0x2D0];
	v62 =	vshll.u32 v31, $0x5;
	v7 =	vshll.u32 v36, $0x5;
	v12 =	vadd.s32 v20, v12;
	[tilespmem:$0x340] =	vst v9  }
0x4b: {  	v25 =	vld [tilespmem:$0xE0];
	v8 =	vadd.s32 v37, v38;
	v57 =	vadd.s32 v23, v15;
	v4 =	vadd.s32 v26, v53;
	[tilespmem:$0x350] =	vst v12  }
0x4c: {  	v33 =	vld [tilespmem:$0x1F0];
	v60 =	vadd.s32 v29, v58;
	v23 =	vadd.s32 v61, v62;
	v3 =	vadd.s32 v5, v3;
	[tilespmem:$0x360] =	vst v57  }
0x4d: {  	v63 =	vld [tilespmem:$0x1D0];
	v7 =	vadd.s32 v10, v7;
	v5 =	vand.u32 $0x7, v5;
	v8 =	vadd.s32 v14, v8;
	[tilespmem:$0x300] =	vst v3  }
0x4e: {  	v31 =	vld [tilespmem:$0xF0];
	v9 =	vadd.s32 v32, v23;
	v26 =	vadd.s32 v39, v7;
	v3 =	vshll.u32 v3, $0x3;
	[tilespmem:$0x370] =	vst v4  }
0x4f: {  	v29 =	vld [tilespmem:$0x1E0];
	v7 =	vadd.s32 v27, v28;
	v32 =	vshll.u32 v52, $0x5;
	[tilespmem:$0x380] =	vst v60;
	v3 =	vand.u32 $0xFFFFFFC0, v3  }
0x50: {  	v37 =	vld [tilespmem:$0x2F0];
	v34 =	vshll.u32 v59, $0xA;
	[tilespmem:$0x330] =	vst v8;
	v4 =	vadd.s32 v30, v32;
	v3 =	vor.u32 v5, v3  }
0x51: {  	v36 =	vld [tilespmem:$0x2E0];
	[tilespmem:$0x390] =	vst v9;
	v39 =	vadd.s32 v46, v7;
	v4 =	vadd.s32 v56, v4;
	v38 =	vperm.xlane v3, v0  }
0x52: {  	[tilespmem:$0x3A0] =	vst v26;
	v41 =	vshll.u32 v25, $0xA;
	v46 =	vshll.u32 v33, $0x5;
	v35 =	vshll.u32 v63, $0x5  }
0x53: {  	[tilespmem:$0x3B0] =	vst v39;
	v45 =	vshll.u32 v31, $0xA;
	v8 =	vadd.s32 v34, v35;
	v43 =	vadd.s32 v1, v38  }
0x54: {  	[tilespmem:$0x3C0] =	vst v4;
	v42 =	vshll.u32 v29, $0x5;
	v47 =	vadd.s32 v45, v46;
	v40 =	vadd.s32 v24, v8  }
0x55: {  	v3 =	vperm.xlane v3, v2;
	v44 =	vadd.s32 v41, v42;
	v48 =	vadd.s32 v37, v47;
	[tilespmem:$0x3D0] =	vst v40  }
0x56: {  	v4 =	vadd.s32 v36, v44;
	[tilespmem:$0x3F0] =	vst v48  }
0x57: {  	v3 =	vadd.s32 v1, v3;
	[tilespmem:$0x3E0] =	vst v4  }
0x58: {  	[tilespmem:s14], [sflag:$0x1] =	stream.indirect_vreg.gather [hbm4b:s7+s2], $0x80, v43, vm0, $0xb8;
	[tilespmem:$0x14400] =	vst v63  }
0x59: {  	_ = 	snop  }
0x5a: {  	[tilespmem:s16], [sflag:$0x1] =	stream.indirect_vreg.gather [hbm4b:s15+s2], $0x80, v43, vm0, $0xb8;
	[tilespmem:$0x14400] =	vst v63  }
0x5b: {  	_ = 	snop  }
0x5c: {  	[tilespmem:s17], [sflag:$0x1] =	stream.indirect_vreg.gather [hbm4b:s7+s2], $0x80, v3, vm0, $0xb8;
	[tilespmem:$0x14400] =	vst v63  }
0x5d: {  	_ = 	snop  }
0x5e: {  	[tilespmem:s18], [sflag:$0x1] =	stream.indirect_vreg.gather [hbm4b:s15+s2], $0x80, v3, vm0, $0xb8;
	[tilespmem:$0x14400] =	vst v63  }
0x5f: {  	v3 =	vld [tilespmem:$0x310];
	_ =	sdelay $0x4  }
0x60: {  	v49 =	vshll.u32 v3, $0x3  }
0x61: {  	v3 =	vand.u32 $0x7, v3;
	v4 =	vand.u32 $0xFFFFFFC0, v49  }
0x62: {  	v3 =	vor.u32 v3, v4  }
0x63: {  	v4 =	vperm.xlane v3, v0;
	_ =	sdelay $0x1  }
0x64: {  	v4 =	vadd.s32 v1, v4;
	_ =	sdelay $0x1  }
0x65: {  	v3 =	vperm.xlane v3, v2;
	_ =	sdelay $0x1  }
0x66: {  	v3 =	vadd.s32 v1, v3  }
0x67: {  	[tilespmem:s19], [sflag:$0x1] =	stream.indirect_vreg.gather [hbm4b:s7+s2], $0x80, v4, vm0, $0xb8;
	[tilespmem:$0x14400] =	vst v63  }
0x68: {  	_ = 	snop  }
0x69: {  	[tilespmem:s20], [sflag:$0x1] =	stream.indirect_vreg.gather [hbm4b:s15+s2], $0x80, v4, vm0, $0xb8;
	[tilespmem:$0x14400] =	vst v63  }
0x6a: {  	_ = 	snop  }
0x6b: {  	[tilespmem:s21], [sflag:$0x1] =	stream.indirect_vreg.gather [hbm4b:s7+s2], $0x80, v3, vm0, $0xb8;
	[tilespmem:$0x14400] =	vst v63  }
0x6c: {  	_ = 	snop  }
0x6d: {  	[tilespmem:s22], [sflag:$0x1] =	stream.indirect_vreg.gather [hbm4b:s15+s2], $0x80, v3, vm0, $0xb8;
	[tilespmem:$0x14400] =	vst v63  }
0x6e: {  	_ =	swait.ge [sflag:s3], $0x2000  }
0x6f: {  	[sflag:s3] =	ssyncset.done $0x0  }
0x70: {  	[sflag:s3] =	ssyncadd.s32 $0xFFFFE000  }
0x71: {  	v3 =	vld [tilespmem:$0x320];
	_ =	sdelay $0x4  }
0x72: {  	v50 =	vshll.u32 v3, $0x3  }
0x73: {  	v3 =	vand.u32 $0x7, v3;
	v4 =	vand.u32 $0xFFFFFFC0, v50  }
0x74: {  	v3 =	vor.u32 v3, v4  }
0x75: {  	v4 =	vperm.xlane v3, v0;
	_ =	sdelay $0x1  }
0x76: {  	v4 =	vadd.s32 v1, v4;
	_ =	sdelay $0x1  }
0x77: {  	v3 =	vperm.xlane v3, v2;
	_ =	sdelay $0x1  }
0x78: {  	v3 =	vadd.s32 v1, v3  }
0x79: {  	[tilespmem:s14], [sflag:$0x1] =	stream.indirect_vreg.gather [hbm4b:s7+s2], $0x80, v4, vm0, $0xb8;
	[tilespmem:$0x14400] =	vst v63  }
0x7a: {  	_ = 	snop  }
0x7b: {  	[tilespmem:s16], [sflag:$0x1] =	stream.indirect_vreg.gather [hbm4b:s15+s2], $0x80, v4, vm0, $0xb8;
	[tilespmem:$0x14400] =	vst v63  }
0x7c: {  	_ = 	snop  }
0x7d: {  	[tilespmem:s17], [sflag:$0x1] =	stream.indirect_vreg.gather [hbm4b:s7+s2], $0x80, v3, vm0, $0xb8;
	[tilespmem:$0x14400] =	vst v63  }
0x7e: {  	_ = 	snop  }
0x7f: {  	[tilespmem:s18], [sflag:$0x1] =	stream.indirect_vreg.gather [hbm4b:s15+s2], $0x80, v3, vm0, $0xb8;
	[tilespmem:$0x14400] =	vst v63  }
0x80: {  	_ =	swait.ge [sflag:s3], $0x2000  }
0x81: {  	[sflag:s3] =	ssyncset.done $0x0  }
0x82: {  	[sflag:s3] =	ssyncadd.s32 $0xFFFFE000  }
0x83: {  	v3 =	vld [tilespmem:$0x330];
	_ =	sdelay $0x4  }
0x84: {  	v51 =	vshll.u32 v3, $0x3  }
0x85: {  	v3 =	vand.u32 $0x7, v3;
	v4 =	vand.u32 $0xFFFFFFC0, v51  }
0x86: {  	v3 =	vor.u32 v3, v4  }
0x87: {  	v4 =	vperm.xlane v3, v0;
	_ =	sdelay $0x1  }
0x88: {  	v4 =	vadd.s32 v1, v4;
	_ =	sdelay $0x1  }
0x89: {  	v3 =	vperm.xlane v3, v2;
	_ =	sdelay $0x1  }
0x8a: {  	v3 =	vadd.s32 v1, v3  }
0x8b: {  	[tilespmem:s19], [sflag:$0x1] =	stream.indirect_vreg.gather [hbm4b:s7+s2], $0x80, v4, vm0, $0xb8;
	[tilespmem:$0x14400] =	vst v63  }
0x8c: {  	_ = 	snop  }
0x8d: {  	[tilespmem:s20], [sflag:$0x1] =	stream.indirect_vreg.gather [hbm4b:s15+s2], $0x80, v4, vm0, $0xb8;
	[tilespmem:$0x14400] =	vst v63  }
0x8e: {  	_ = 	snop  }
0x8f: {  	[tilespmem:s21], [sflag:$0x1] =	stream.indirect_vreg.gather [hbm4b:s7+s2], $0x80, v3, vm0, $0xb8;
	[tilespmem:$0x14400] =	vst v63  }
0x90: {  	_ = 	snop  }
0x91: {  	[tilespmem:s22], [sflag:$0x1] =	stream.indirect_vreg.gather [hbm4b:s15+s2], $0x80, v3, vm0, $0xb8;
	[tilespmem:$0x14400] =	vst v63  }
0x92: {  	_ =	swait.ge [sflag:s3], $0x2000  }
0x93: {  	[sflag:s3] =	ssyncset.done $0x0  }
0x94: {  	[sflag:s3] =	ssyncadd.s32 $0xFFFFE000  }
0x95: {  	v3 =	vld [tilespmem:$0x340];
	_ =	sdelay $0x4  }
0x96: {  	v52 =	vshll.u32 v3, $0x3  }
0x97: {  	v3 =	vand.u32 $0x7, v3;
	v4 =	vand.u32 $0xFFFFFFC0, v52  }
0x98: {  	v3 =	vor.u32 v3, v4  }
0x99: {  	v4 =	vperm.xlane v3, v0;
	_ =	sdelay $0x1  }
0x9a: {  	v4 =	vadd.s32 v1, v4;
	_ =	sdelay $0x1  }
0x9b: {  	v3 =	vperm.xlane v3, v2;
	_ =	sdelay $0x1  }
0x9c: {  	v3 =	vadd.s32 v1, v3  }
0x9d: {  	[tilespmem:s14], [sflag:$0x1] =	stream.indirect_vreg.gather [hbm4b:s7+s2], $0x80, v4, vm0, $0xb8;
	[tilespmem:$0x14400] =	vst v63  }
0x9e: {  	_ = 	snop  }
0x9f: {  	[tilespmem:s16], [sflag:$0x1] =	stream.indirect_vreg.gather [hbm4b:s15+s2], $0x80, v4, vm0, $0xb8;
	[tilespmem:$0x14400] =	vst v63  }
0xa0: {  	_ = 	snop  }
0xa1: {  	[tilespmem:s17], [sflag:$0x1] =	stream.indirect_vreg.gather [hbm4b:s7+s2], $0x80, v3, vm0, $0xb8;
	[tilespmem:$0x14400] =	vst v63  }
0xa2: {  	_ = 	snop  }
0xa3: {  	[tilespmem:s18], [sflag:$0x1] =	stream.indirect_vreg.gather [hbm4b:s15+s2], $0x80, v3, vm0, $0xb8;
	[tilespmem:$0x14400] =	vst v63  }
0xa4: {  	_ =	swait.ge [sflag:s3], $0x2000  }
0xa5: {  	[sflag:s3] =	ssyncset.done $0x0  }
0xa6: {  	[sflag:s3] =	ssyncadd.s32 $0xFFFFE000  }
0xa7: {  	v3 =	vld [tilespmem:$0x350];
	_ =	sdelay $0x4  }
0xa8: {  	v53 =	vshll.u32 v3, $0x3  }
0xa9: {  	v3 =	vand.u32 $0x7, v3;
	v4 =	vand.u32 $0xFFFFFFC0, v53  }
0xaa: {  	v3 =	vor.u32 v3, v4  }
0xab: {  	v4 =	vperm.xlane v3, v0;
	_ =	sdelay $0x1  }
0xac: {  	v4 =	vadd.s32 v1, v4;
	_ =	sdelay $0x1  }
0xad: {  	v3 =	vperm.xlane v3, v2;
	_ =	sdelay $0x1  }
0xae: {  	v3 =	vadd.s32 v1, v3  }
0xaf: {  	[tilespmem:s19], [sflag:$0x1] =	stream.indirect_vreg.gather [hbm4b:s7+s2], $0x80, v4, vm0, $0xb8;
	[tilespmem:$0x14400] =	vst v63  }
0xb0: {  	_ = 	snop  }
0xb1: {  	[tilespmem:s20], [sflag:$0x1] =	stream.indirect_vreg.gather [hbm4b:s15+s2], $0x80, v4, vm0, $0xb8;
	[tilespmem:$0x14400] =	vst v63  }
0xb2: {  	_ = 	snop  }
0xb3: {  	[tilespmem:s21], [sflag:$0x1] =	stream.indirect_vreg.gather [hbm4b:s7+s2], $0x80, v3, vm0, $0xb8;
	[tilespmem:$0x14400] =	vst v63  }
0xb4: {  	_ = 	snop  }
0xb5: {  	[tilespmem:s22], [sflag:$0x1] =	stream.indirect_vreg.gather [hbm4b:s15+s2], $0x80, v3, vm0, $0xb8;
	[tilespmem:$0x14400] =	vst v63  }
0xb6: {  	_ =	swait.ge [sflag:s3], $0x2000  }
0xb7: {  	[sflag:s3] =	ssyncset.done $0x0  }
0xb8: {  	[sflag:s3] =	ssyncadd.s32 $0xFFFFE000  }
0xb9: {  	v3 =	vld [tilespmem:$0x360];
	_ =	sdelay $0x4  }
0xba: {  	v54 =	vshll.u32 v3, $0x3  }
0xbb: {  	v3 =	vand.u32 $0x7, v3;
	v4 =	vand.u32 $0xFFFFFFC0, v54  }
0xbc: {  	v3 =	vor.u32 v3, v4  }
0xbd: {  	v4 =	vperm.xlane v3, v0;
	_ =	sdelay $0x1  }
0xbe: {  	v4 =	vadd.s32 v1, v4;
	_ =	sdelay $0x1  }
0xbf: {  	v3 =	vperm.xlane v3, v2;
	_ =	sdelay $0x1  }
0xc0: {  	v3 =	vadd.s32 v1, v3  }
0xc1: {  	[tilespmem:s14], [sflag:$0x1] =	stream.indirect_vreg.gather [hbm4b:s7+s2], $0x80, v4, vm0, $0xb8;
	[tilespmem:$0x14400] =	vst v63  }
0xc2: {  	_ = 	snop  }
0xc3: {  	[tilespmem:s16], [sflag:$0x1] =	stream.indirect_vreg.gather [hbm4b:s15+s2], $0x80, v4, vm0, $0xb8;
	[tilespmem:$0x14400] =	vst v63  }
0xc4: {  	_ = 	snop  }
0xc5: {  	[tilespmem:s17], [sflag:$0x1] =	stream.indirect_vreg.gather [hbm4b:s7+s2], $0x80, v3, vm0, $0xb8;
	[tilespmem:$0x14400] =	vst v63  }
0xc6: {  	_ = 	snop  }
0xc7: {  	[tilespmem:s18], [sflag:$0x1] =	stream.indirect_vreg.gather [hbm4b:s15+s2], $0x80, v3, vm0, $0xb8;
	[tilespmem:$0x14400] =	vst v63  }
0xc8: {  	_ =	swait.ge [sflag:s3], $0x2000  }
0xc9: {  	[sflag:s3] =	ssyncset.done $0x0  }
0xca: {  	[sflag:s3] =	ssyncadd.s32 $0xFFFFE000  }
0xcb: {  	v3 =	vld [tilespmem:$0x370];
	_ =	sdelay $0x4  }
0xcc: {  	v55 =	vshll.u32 v3, $0x3  }
0xcd: {  	v3 =	vand.u32 $0x7, v3;
	v4 =	vand.u32 $0xFFFFFFC0, v55  }
0xce: {  	v3 =	vor.u32 v3, v4  }
0xcf: {  	v4 =	vperm.xlane v3, v0;
	_ =	sdelay $0x1  }
0xd0: {  	v4 =	vadd.s32 v1, v4;
	_ =	sdelay $0x1  }
0xd1: {  	v3 =	vperm.xlane v3, v2;
	_ =	sdelay $0x1  }
0xd2: {  	v3 =	vadd.s32 v1, v3  }
0xd3: {  	[tilespmem:s19], [sflag:$0x1] =	stream.indirect_vreg.gather [hbm4b:s7+s2], $0x80, v4, vm0, $0xb8;
	[tilespmem:$0x14400] =	vst v63  }
0xd4: {  	_ = 	snop  }
0xd5: {  	[tilespmem:s20], [sflag:$0x1] =	stream.indirect_vreg.gather [hbm4b:s15+s2], $0x80, v4, vm0, $0xb8;
	[tilespmem:$0x14400] =	vst v63  }
0xd6: {  	_ = 	snop  }
0xd7: {  	[tilespmem:s21], [sflag:$0x1] =	stream.indirect_vreg.gather [hbm4b:s7+s2], $0x80, v3, vm0, $0xb8;
	[tilespmem:$0x14400] =	vst v63  }
0xd8: {  	_ = 	snop  }
0xd9: {  	[tilespmem:s22], [sflag:$0x1] =	stream.indirect_vreg.gather [hbm4b:s15+s2], $0x80, v3, vm0, $0xb8;
	[tilespmem:$0x14400] =	vst v63  }
0xda: {  	_ =	swait.ge [sflag:s3], $0x2000  }
0xdb: {  	[sflag:s3] =	ssyncset.done $0x0  }
0xdc: {  	[sflag:s3] =	ssyncadd.s32 $0xFFFFE000  }
0xdd: {  	_ =	swait.ge [sflag:s3], $0x2000  }
0xde: {  	[sflag:s3] =	ssyncset.done $0x0  }
0xdf: {  	[sflag:s3] =	ssyncadd.s32 $0xFFFFE000  }
0xe0: {  	[hbm4b:s8+s14] =	stream.strided.scatter [tilespmem:s24], [sflag:$0x2], $0x10000, s23, s14, $0x38;
	[tilespmem:$0x14400] =	vst v63  }
0xe1: {  	v3 =	vld [tilespmem:$0x380];
	_ =	sdelay $0x4  }
0xe2: {  	v56 =	vshll.u32 v3, $0x3  }
0xe3: {  	v3 =	vand.u32 $0x7, v3;
	v4 =	vand.u32 $0xFFFFFFC0, v56  }
0xe4: {  	v3 =	vor.u32 v3, v4  }
0xe5: {  	v4 =	vperm.xlane v3, v0;
	_ =	sdelay $0x1  }
0xe6: {  	v4 =	vadd.s32 v1, v4;
	_ =	sdelay $0x1  }
0xe7: {  	v3 =	vperm.xlane v3, v2;
	_ =	sdelay $0x1  }
0xe8: {  	v3 =	vadd.s32 v1, v3  }
0xe9: {  	[tilespmem:s14], [sflag:$0x1] =	stream.indirect_vreg.gather [hbm4b:s7+s2], $0x80, v4, vm0, $0xb8;
	[tilespmem:$0x14400] =	vst v63  }
0xea: {  	_ = 	snop  }
0xeb: {  	[tilespmem:s16], [sflag:$0x1] =	stream.indirect_vreg.gather [hbm4b:s15+s2], $0x80, v4, vm0, $0xb8;
	[tilespmem:$0x14400] =	vst v63  }
0xec: {  	_ = 	snop  }
0xed: {  	[tilespmem:s17], [sflag:$0x1] =	stream.indirect_vreg.gather [hbm4b:s7+s2], $0x80, v3, vm0, $0xb8;
	[tilespmem:$0x14400] =	vst v63  }
0xee: {  	_ = 	snop  }
0xef: {  	[tilespmem:s18], [sflag:$0x1] =	stream.indirect_vreg.gather [hbm4b:s15+s2], $0x80, v3, vm0, $0xb8;
	[tilespmem:$0x14400] =	vst v63  }
0xf0: {  	v3 =	vld [tilespmem:$0x390];
	_ =	sdelay $0x4  }
0xf1: {  	v57 =	vshll.u32 v3, $0x3  }
0xf2: {  	v3 =	vand.u32 $0x7, v3;
	v4 =	vand.u32 $0xFFFFFFC0, v57  }
0xf3: {  	v3 =	vor.u32 v3, v4  }
0xf4: {  	v4 =	vperm.xlane v3, v0;
	_ =	sdelay $0x1  }
0xf5: {  	v4 =	vadd.s32 v1, v4;
	_ =	sdelay $0x1  }
0xf6: {  	v3 =	vperm.xlane v3, v2;
	_ =	sdelay $0x1  }
0xf7: {  	v3 =	vadd.s32 v1, v3  }
0xf8: {  	[tilespmem:s19], [sflag:$0x1] =	stream.indirect_vreg.gather [hbm4b:s7+s2], $0x80, v4, vm0, $0xb8;
	[tilespmem:$0x14400] =	vst v63  }
0xf9: {  	_ = 	snop  }
0xfa: {  	[tilespmem:s20], [sflag:$0x1] =	stream.indirect_vreg.gather [hbm4b:s15+s2], $0x80, v4, vm0, $0xb8;
	[tilespmem:$0x14400] =	vst v63  }
0xfb: {  	_ = 	snop  }
0xfc: {  	[tilespmem:s21], [sflag:$0x1] =	stream.indirect_vreg.gather [hbm4b:s7+s2], $0x80, v3, vm0, $0xb8;
	[tilespmem:$0x14400] =	vst v63  }
0xfd: {  	_ = 	snop  }
0xfe: {  	[tilespmem:s22], [sflag:$0x1] =	stream.indirect_vreg.gather [hbm4b:s15+s2], $0x80, v3, vm0, $0xb8;
	[tilespmem:$0x14400] =	vst v63  }
0xff: {  	_ =	swait.ge [sflag:s3], $0x2000  }
0x100: {  	[sflag:s3] =	ssyncset.done $0x0  }
0x101: {  	[sflag:s3] =	ssyncadd.s32 $0xFFFFE000  }
0x102: {  	_ =	swait.ge [sflag:s25], $0x10000  }
0x103: {  	[sflag:s25] =	ssyncset.done $0x0  }
0x104: {  	[sflag:s25] =	ssyncadd.s32 $0xFFFF0000  }
0x105: {  	v3 =	vld [tilespmem:$0x3A0];
	_ =	sdelay $0x4  }
0x106: {  	v58 =	vshll.u32 v3, $0x3  }
0x107: {  	v3 =	vand.u32 $0x7, v3;
	v4 =	vand.u32 $0xFFFFFFC0, v58  }
0x108: {  	v3 =	vor.u32 v3, v4  }
0x109: {  	v4 =	vperm.xlane v3, v0;
	_ =	sdelay $0x1  }
0x10a: {  	v4 =	vadd.s32 v1, v4;
	_ =	sdelay $0x1  }
0x10b: {  	v3 =	vperm.xlane v3, v2;
	_ =	sdelay $0x1  }
0x10c: {  	v3 =	vadd.s32 v1, v3  }
0x10d: {  	[tilespmem:s14], [sflag:$0x1] =	stream.indirect_vreg.gather [hbm4b:s7+s2], $0x80, v4, vm0, $0xb8;
	[tilespmem:$0x14400] =	vst v63  }
0x10e: {  	_ = 	snop  }
0x10f: {  	[tilespmem:s16], [sflag:$0x1] =	stream.indirect_vreg.gather [hbm4b:s15+s2], $0x80, v4, vm0, $0xb8;
	[tilespmem:$0x14400] =	vst v63  }
0x110: {  	_ = 	snop  }
0x111: {  	[tilespmem:s17], [sflag:$0x1] =	stream.indirect_vreg.gather [hbm4b:s7+s2], $0x80, v3, vm0, $0xb8;
	[tilespmem:$0x14400] =	vst v63  }
0x112: {  	_ = 	snop  }
0x113: {  	[tilespmem:s18], [sflag:$0x1] =	stream.indirect_vreg.gather [hbm4b:s15+s2], $0x80, v3, vm0, $0xb8;
	[tilespmem:$0x14400] =	vst v63  }
0x114: {  	_ =	swait.ge [sflag:s3], $0x2000  }
0x115: {  	[sflag:s3] =	ssyncset.done $0x0  }
0x116: {  	[sflag:s3] =	ssyncadd.s32 $0xFFFFE000  }
0x117: {  	v3 =	vld [tilespmem:$0x3B0];
	_ =	sdelay $0x4  }
0x118: {  	v59 =	vshll.u32 v3, $0x3  }
0x119: {  	v3 =	vand.u32 $0x7, v3;
	v4 =	vand.u32 $0xFFFFFFC0, v59  }
0x11a: {  	v3 =	vor.u32 v3, v4  }
0x11b: {  	v4 =	vperm.xlane v3, v0;
	_ =	sdelay $0x1  }
0x11c: {  	v4 =	vadd.s32 v1, v4;
	_ =	sdelay $0x1  }
0x11d: {  	v3 =	vperm.xlane v3, v2;
	_ =	sdelay $0x1  }
0x11e: {  	v3 =	vadd.s32 v1, v3  }
0x11f: {  	[tilespmem:s19], [sflag:$0x1] =	stream.indirect_vreg.gather [hbm4b:s7+s2], $0x80, v4, vm0, $0xb8;
	[tilespmem:$0x14400] =	vst v63  }
0x120: {  	_ = 	snop  }
0x121: {  	[tilespmem:s20], [sflag:$0x1] =	stream.indirect_vreg.gather [hbm4b:s15+s2], $0x80, v4, vm0, $0xb8;
	[tilespmem:$0x14400] =	vst v63  }
0x122: {  	_ = 	snop  }
0x123: {  	[tilespmem:s21], [sflag:$0x1] =	stream.indirect_vreg.gather [hbm4b:s7+s2], $0x80, v3, vm0, $0xb8;
	[tilespmem:$0x14400] =	vst v63  }
0x124: {  	_ = 	snop  }
0x125: {  	[tilespmem:s22], [sflag:$0x1] =	stream.indirect_vreg.gather [hbm4b:s15+s2], $0x80, v3, vm0, $0xb8;
	[tilespmem:$0x14400] =	vst v63  }
0x126: {  	_ =	swait.ge [sflag:s3], $0x2000  }
0x127: {  	[sflag:s3] =	ssyncset.done $0x0  }
0x128: {  	[sflag:s3] =	ssyncadd.s32 $0xFFFFE000  }
0x129: {  	v3 =	vld [tilespmem:$0x3C0];
	_ =	sdelay $0x4  }
0x12a: {  	v60 =	vshll.u32 v3, $0x3  }
0x12b: {  	v3 =	vand.u32 $0x7, v3;
	v4 =	vand.u32 $0xFFFFFFC0, v60  }
0x12c: {  	v3 =	vor.u32 v3, v4  }
0x12d: {  	v4 =	vperm.xlane v3, v0;
	_ =	sdelay $0x1  }
0x12e: {  	v4 =	vadd.s32 v1, v4;
	_ =	sdelay $0x1  }
0x12f: {  	v3 =	vperm.xlane v3, v2;
	_ =	sdelay $0x1  }
0x130: {  	v3 =	vadd.s32 v1, v3  }
0x131: {  	[tilespmem:s14], [sflag:$0x1] =	stream.indirect_vreg.gather [hbm4b:s7+s2], $0x80, v4, vm0, $0xb8;
	[tilespmem:$0x14400] =	vst v63  }
0x132: {  	_ = 	snop  }
0x133: {  	[tilespmem:s16], [sflag:$0x1] =	stream.indirect_vreg.gather [hbm4b:s15+s2], $0x80, v4, vm0, $0xb8;
	[tilespmem:$0x14400] =	vst v63  }
0x134: {  	_ = 	snop  }
0x135: {  	[tilespmem:s17], [sflag:$0x1] =	stream.indirect_vreg.gather [hbm4b:s7+s2], $0x80, v3, vm0, $0xb8;
	[tilespmem:$0x14400] =	vst v63  }
0x136: {  	_ = 	snop  }
0x137: {  	[tilespmem:s18], [sflag:$0x1] =	stream.indirect_vreg.gather [hbm4b:s15+s2], $0x80, v3, vm0, $0xb8;
	[tilespmem:$0x14400] =	vst v63  }
0x138: {  	_ =	swait.ge [sflag:s3], $0x2000  }
0x139: {  	[sflag:s3] =	ssyncset.done $0x0  }
0x13a: {  	[sflag:s3] =	ssyncadd.s32 $0xFFFFE000  }
0x13b: {  	v3 =	vld [tilespmem:$0x3D0];
	_ =	sdelay $0x4  }
0x13c: {  	v61 =	vshll.u32 v3, $0x3  }
0x13d: {  	v3 =	vand.u32 $0x7, v3;
	v4 =	vand.u32 $0xFFFFFFC0, v61  }
0x13e: {  	v3 =	vor.u32 v3, v4  }
0x13f: {  	v4 =	vperm.xlane v3, v0;
	_ =	sdelay $0x1  }
0x140: {  	v4 =	vadd.s32 v1, v4;
	_ =	sdelay $0x1  }
0x141: {  	v3 =	vperm.xlane v3, v2;
	_ =	sdelay $0x1  }
0x142: {  	v3 =	vadd.s32 v1, v3  }
0x143: {  	[tilespmem:s19], [sflag:$0x1] =	stream.indirect_vreg.gather [hbm4b:s7+s2], $0x80, v4, vm0, $0xb8;
	[tilespmem:$0x14400] =	vst v63  }
0x144: {  	_ = 	snop  }
0x145: {  	[tilespmem:s20], [sflag:$0x1] =	stream.indirect_vreg.gather [hbm4b:s15+s2], $0x80, v4, vm0, $0xb8;
	[tilespmem:$0x14400] =	vst v63  }
0x146: {  	_ = 	snop  }
0x147: {  	[tilespmem:s21], [sflag:$0x1] =	stream.indirect_vreg.gather [hbm4b:s7+s2], $0x80, v3, vm0, $0xb8;
	[tilespmem:$0x14400] =	vst v63  }
0x148: {  	_ = 	snop  }
0x149: {  	[tilespmem:s22], [sflag:$0x1] =	stream.indirect_vreg.gather [hbm4b:s15+s2], $0x80, v3, vm0, $0xb8;
	[tilespmem:$0x14400] =	vst v63  }
0x14a: {  	_ =	swait.ge [sflag:s3], $0x2000  }
0x14b: {  	[sflag:s3] =	ssyncset.done $0x0  }
0x14c: {  	[sflag:s3] =	ssyncadd.s32 $0xFFFFE000  }
0x14d: {  	v3 =	vld [tilespmem:$0x3E0];
	_ =	sdelay $0x4  }
0x14e: {  	v62 =	vshll.u32 v3, $0x3  }
0x14f: {  	v3 =	vand.u32 $0x7, v3;
	v4 =	vand.u32 $0xFFFFFFC0, v62  }
0x150: {  	v3 =	vor.u32 v3, v4  }
0x151: {  	v4 =	vperm.xlane v3, v0;
	_ =	sdelay $0x1  }
0x152: {  	v4 =	vadd.s32 v1, v4;
	_ =	sdelay $0x1  }
0x153: {  	v3 =	vperm.xlane v3, v2;
	_ =	sdelay $0x1  }
0x154: {  	v3 =	vadd.s32 v1, v3  }
0x155: {  	[tilespmem:s14], [sflag:$0x1] =	stream.indirect_vreg.gather [hbm4b:s7+s2], $0x80, v4, vm0, $0xb8;
	[tilespmem:$0x14400] =	vst v63  }
0x156: {  	_ = 	snop  }
0x157: {  	[tilespmem:s16], [sflag:$0x1] =	stream.indirect_vreg.gather [hbm4b:s15+s2], $0x80, v4, vm0, $0xb8;
	[tilespmem:$0x14400] =	vst v63  }
0x158: {  	_ = 	snop  }
0x159: {  	[tilespmem:s17], [sflag:$0x1] =	stream.indirect_vreg.gather [hbm4b:s7+s2], $0x80, v3, vm0, $0xb8;
	[tilespmem:$0x14400] =	vst v63  }
0x15a: {  	_ = 	snop  }
0x15b: {  	[tilespmem:s18], [sflag:$0x1] =	stream.indirect_vreg.gather [hbm4b:s15+s2], $0x80, v3, vm0, $0xb8;
	[tilespmem:$0x14400] =	vst v63  }
0x15c: {  	_ =	swait.ge [sflag:s3], $0x2000  }
0x15d: {  	[sflag:s3] =	ssyncset.done $0x0  }
0x15e: {  	[sflag:s3] =	ssyncadd.s32 $0xFFFFE000  }
0x15f: {  	v3 =	vld [tilespmem:$0x3F0];
	_ =	sdelay $0x4  }
0x160: {  	v63 =	vshll.u32 v3, $0x3  }
0x161: {  	v3 =	vand.u32 $0x7, v3;
	v4 =	vand.u32 $0xFFFFFFC0, v63  }
0x162: {  	v3 =	vor.u32 v3, v4  }
0x163: {  	v4 =	vperm.xlane v3, v0;
	_ =	sdelay $0x1  }
0x164: {  	v4 =	vadd.s32 v1, v4;
	_ =	sdelay $0x1  }
0x165: {  	v3 =	vperm.xlane v3, v2;
	_ =	sdelay $0x1  }
0x166: {  	v3 =	vadd.s32 v1, v3  }
0x167: {  	[tilespmem:s19], [sflag:$0x1] =	stream.indirect_vreg.gather [hbm4b:s7+s2], $0x80, v4, vm0, $0xb8;
	[tilespmem:$0x14400] =	vst v63  }
0x168: {  	_ = 	snop  }
0x169: {  	[tilespmem:s20], [sflag:$0x1] =	stream.indirect_vreg.gather [hbm4b:s15+s2], $0x80, v4, vm0, $0xb8;
	[tilespmem:$0x14400] =	vst v63  }
0x16a: {  	_ = 	snop  }
0x16b: {  	[tilespmem:s21], [sflag:$0x1] =	stream.indirect_vreg.gather [hbm4b:s7+s2], $0x80, v3, vm0, $0xb8;
	[tilespmem:$0x14400] =	vst v63  }
0x16c: {  	_ = 	snop  }
0x16d: {  	[tilespmem:s22], [sflag:$0x1] =	stream.indirect_vreg.gather [hbm4b:s15+s2], $0x80, v3, vm0, $0xb8;
	[tilespmem:$0x14400] =	vst v63  }
0x16e: {  	_ =	swait.ge [sflag:s3], $0x2000  }
0x16f: {  	[sflag:s3] =	ssyncset.done $0x0  }
0x170: {  	[sflag:s3] =	ssyncadd.s32 $0xFFFFE000  }
0x171: {  	_ =	swait.ge [sflag:s3], $0x2000  }
0x172: {  	p0 =	sne.s32 s10, $0x1;
	[sflag:s3] =	ssyncset.done $0x0  }
.Ltmp0:
0x173: {  	[sflag:s3] =	ssyncadd.s32 $0xFFFFE000;
	(pc) =	sbr.rel @p0 .LBB2_1-.Ltmp0, $4  }
0x174: {  	[hbm4b:s9+s14] =	stream.strided.scatter [tilespmem:s24], [sflag:$0x2], $0x10000, s23, s14, $0x38;
	[tilespmem:$0x14400] =	vst v63  }
0x175: {  	_ =	swait.ge [sflag:s25], $0x10000  }
0x176: {  	[sflag:s25] =	ssyncset.done $0x0  }
0x177: {  	s10 =	sadd.s32 $0xFFFFFFFF, s10;
	[sflag:s25] =	ssyncadd.s32 $0xFFFF0000  }
0x178: {  	_ =	sfence.sel $0x180000  }
0x179: {  	[bflag:$0x0] =	sbarrier.arrive $0xFFFF  }
0x17a: {  	p0 =	sne.s32 s0, $0x0;
	_ =	strace $0x90000047  }
0x17b: {  	s0 =	sadd.s32 @!p0 $0x100000, s1;
	[bflag:$0x2] =	sbarrier.arrive $0xFFFF  }
0x17c: {  	[sflag:s0] =	ssyncadd.tile.s32 @!p0 $0x1;
	_ =	shalt  }
.Lfunc_end2:
_tile_overlayer_lowered:
.L_overlay_start_2:
0x17d: {  	(tag) =	ssettag $0x2  }
0x17e: {  	s0 =	rddreg [dreg:$0x0];
	s2 =	stileid.u32  }
0x17f: {  	s1 =	rddreg [dreg:$0x1];
	p0 =	sne.s32 s2, $0x0  }
0x180: {  	s3 =	rddreg [dreg:$0x2];
	[bflag:$0x3] =	sbarrier.arrive $0xFFFF;
	s2 =	simm.s32 @!p0 $0x1C03  }
0x181: {  	[timem:s3], [sflag:s2] =	dma.local @!p0 [hbm:s0], s1  }
0x182: {  	s0 =	simm.s32 @!p0 $0x3  }
0x183: {  	_ =	swait.ge @!p0 [sflag:s0], s1  }
0x184: {  	s1 =	ssub.s32 @!p0 $0x0, s1;
	[sflag:s0] =	ssyncset.done @!p0 $0x0  }
0x185: {  	[sflag:s0] =	ssyncadd.s32 @!p0 s1  }
0x186: {  	[bflag:$0x3] =	sbarrier.arrive $0xFFFF  }
0x187: {  	_ =	shalt  }

</sc_bundles>
